<compile_context>
chip_gen: v7x
topology: tpu7x:2x2x1
jax: 0.10.2.dev20260603
libtpu: 0.0.44.dev20260713+nightly
codegen_flags: <defaults>
</compile_context>

<pallas_src>
import functools

import jax
import jax.numpy as jnp
from jax import lax
from jax.experimental import pallas as pl
from jax.experimental.pallas import tpu as pltpu
from jax.experimental.pallas import tpu_sc as plsc

B = 16384
N_WORKERS = 32
CHUNK = B // N_WORKERS
GATHER_W = 128
N_GATHERS = CHUNK // GATHER_W
GROUPS = CHUNK // 16
GPB = GATHER_W // 16
D_DRV, D_WEEK, D_TIME = 8, 3, 8
D_ND = D_WEEK + D_TIME + 2
D_OUT = D_DRV + D_ND


def _splat(c):
    return jnp.full((16,), c, dtype=jnp.int32)


def _body(drv_id_hbm, week_id_hbm, time_id_hbm, date_id_hbm, dist_hbm,
          w_drv_hbm, w_week_hbm, w_time_hbm, out_hbm,
          drv_idx_v, drv_rows_v, week_tab_v, time_tab_v,
          wk_v, tm_v, dt_v, ds_v, nd_v,
          sem_idx, sem_stage, sem_g0, sem_g1, sem_g2, sem_g3, sem_out):
    cid = lax.axis_index("c")
    sid = lax.axis_index("s")
    wid = sid * 2 + cid
    base = wid * CHUNK

    idx_cp = pltpu.async_copy(drv_id_hbm.at[wid], drv_idx_v, sem_idx)
    stage_cps = [
        pltpu.async_copy(week_id_hbm.at[pl.ds(base, CHUNK)], wk_v, sem_stage),
        pltpu.async_copy(time_id_hbm.at[pl.ds(base, CHUNK)], tm_v, sem_stage),
        pltpu.async_copy(date_id_hbm.at[pl.ds(base, CHUNK)], dt_v, sem_stage),
        pltpu.async_copy(dist_hbm.at[pl.ds(base, CHUNK)], ds_v, sem_stage),
        pltpu.async_copy(w_week_hbm, week_tab_v, sem_stage),
        pltpu.async_copy(w_time_hbm, time_tab_v, sem_stage),
    ]
    idx_cp.wait()
    gsems = [sem_g0, sem_g1, sem_g2, sem_g3]
    gather_cps = [
        pltpu.async_copy(w_drv_hbm.at[drv_idx_v.at[j]],
                         drv_rows_v.at[pl.ds(j * GATHER_W, GATHER_W)],
                         gsems[j])
        for j in range(N_GATHERS)
    ]
    for cp in stage_cps:
        cp.wait()

    out_cps = []
    for j in range(N_GATHERS):

        @plsc.parallel_loop(j * GPB, (j + 1) * GPB, unroll=8)
        def group_nd(g):
            start = pl.multiple_of(g * 16, 16)
            rows = start + lax.iota(jnp.int32, 16)
            wk = wk_v[pl.ds(start, 16)]
            for col in range(D_WEEK):
                v = plsc.load_gather(week_tab_v, [wk, _splat(col)])
                plsc.store_scatter(nd_v, [rows, _splat(col)], v)
            tm = tm_v[pl.ds(start, 16)]
            for col in range(D_TIME):
                v = plsc.load_gather(time_tab_v, [tm, _splat(col)])
                plsc.store_scatter(nd_v, [rows, _splat(D_WEEK + col)], v)
            ds = ds_v[pl.ds(start, 16)]
            plsc.store_scatter(nd_v, [rows, _splat(D_ND - 2)], ds)
            dt = dt_v[pl.ds(start, 16)].astype(jnp.float32)
            plsc.store_scatter(nd_v, [rows, _splat(D_ND - 1)], dt)

        out_cps.append(
            pltpu.async_copy(
                nd_v.at[pl.ds(j * GATHER_W, GATHER_W)],
                out_hbm.at[pl.ds(base + j * GATHER_W, GATHER_W),
                           pl.ds(D_DRV, D_ND)],
                sem_out))

    for j in range(N_GATHERS):
        gather_cps[j].wait()
        out_cps.append(
            pltpu.async_copy(
                drv_rows_v.at[pl.ds(j * GATHER_W, GATHER_W)],
                out_hbm.at[pl.ds(base + j * GATHER_W, GATHER_W),
                           pl.ds(0, D_DRV)],
                sem_out))
    for cp in out_cps:
        cp.wait()


@jax.jit
def kernel(driverID, weekID, timeID, dist, dateID, W_driver, W_week, W_time):
    mesh = plsc.VectorSubcoreMesh(core_axis_name="c", subcore_axis_name="s")
    run = functools.partial(
        pl.kernel,
        out_type=jax.ShapeDtypeStruct((B, D_OUT), jnp.float32),
        mesh=mesh,
        compiler_params=pltpu.CompilerParams(use_tc_tiling_on_sc=False,
                                             needs_layout_passes=False,
                                             disable_bounds_checks=True,
                                             disable_semaphore_checks=True,
                                             skip_device_barrier=True),
        scratch_types=[
            pltpu.VMEM((N_GATHERS, GATHER_W), jnp.int32),
            pltpu.VMEM((CHUNK, D_DRV), jnp.float32),
            pltpu.VMEM((7, 5), jnp.float32),
            pltpu.VMEM((96, 17), jnp.float32),
            pltpu.VMEM((CHUNK,), jnp.int32),
            pltpu.VMEM((CHUNK,), jnp.int32),
            pltpu.VMEM((CHUNK,), jnp.int32),
            pltpu.VMEM((CHUNK,), jnp.float32),
            pltpu.VMEM((CHUNK, D_ND), jnp.float32),
            pltpu.SemaphoreType.DMA,
            pltpu.SemaphoreType.DMA,
            pltpu.SemaphoreType.DMA,
            pltpu.SemaphoreType.DMA,
            pltpu.SemaphoreType.DMA,
            pltpu.SemaphoreType.DMA,
            pltpu.SemaphoreType.DMA,
        ],
    )(_body)
    return run(driverID.astype(jnp.int32).reshape(N_WORKERS, N_GATHERS,
                                                  GATHER_W),
               weekID.astype(jnp.int32),
               timeID.astype(jnp.int32),
               dateID.astype(jnp.int32),
               dist,
               W_driver,
               jnp.pad(W_week, ((0, 0), (0, 5 - D_WEEK))),
               jnp.pad(W_time, ((0, 0), (0, 17 - D_TIME))))

# --- scband reference (transcript-rebuilt; emitter-appended) ---
"""Pipeline reference for scband-attr-11510512353593 (READ-ONLY COPY).

The authoritative reference and input builder live on the scoring server;
editing this copy changes nothing except your own understanding.
"""

import jax, jax.numpy as jnp
import numpy as np

B = 16384

def setup_inputs(seed: int = 0) -> dict:
    key = jax.random.key(seed)
    ks = jax.random.split(key, 8)
    driverID = jax.random.randint(ks[0], (B,), 0, 13000)
    weekID = jax.random.randint(ks[1], (B,), 0, 7)
    timeID = jax.random.randint(ks[2], (B,), 0, 96)
    dateID = jax.random.randint(ks[3], (B,), 0, 31)
    dist = jax.random.uniform(ks[4], (B,), dtype=jnp.float32)
    W_driver = jax.random.normal(ks[5], (13000, 8), dtype=jnp.float32)
    W_week = jax.random.normal(ks[6], (7, 3), dtype=jnp.float32)
    W_time = jax.random.normal(ks[7], (96, 8), dtype=jnp.float32)
    return {"driverID": driverID, "weekID": weekID, "timeID": timeID, "dist": dist, "dateID": dateID, "W_driver": W_driver, "W_week": W_week, "W_time": W_time}

def reference(driverID, weekID, timeID, dist, dateID, W_driver, W_week, W_time):
    # Embedding lookups: attr[name].view(-1,1) -> embed -> squeeze gives [B, dim]
    e_driver = jnp.take(W_driver, driverID, axis=0)
    e_week = jnp.take(W_week, weekID, axis=0)
    e_time = jnp.take(W_time, timeID, axis=0)
    em_list = [e_driver, e_week, e_time, dist.reshape(-1, 1), dateID.astype(jnp.float32).reshape(-1, 1)]
    return jnp.concatenate(em_list, axis=1)

if __name__ == "__main__":
    import jax
    _d = setup_inputs()
    print(jax.jit(kernel)(*tuple(_d.values())))

</pallas_src>

<mosaic_0001>
#map = affine_map<(d0, d1) -> (0, 0, 0)>
#map1 = affine_map<(d0, d1) -> (0)>
#map2 = affine_map<(d0, d1) -> (0, 0)>
module attributes {stable_mosaic.version = 14 : i64} {
  func.func @_body(%arg0: i32, %arg1: i32, %arg2: memref<32x4x128xi32, #tpu.memory_space<hbm>>, %arg3: memref<16384xi32, #tpu.memory_space<hbm>>, %arg4: memref<16384xi32, #tpu.memory_space<hbm>>, %arg5: memref<16384xi32, #tpu.memory_space<hbm>>, %arg6: memref<16384xf32, #tpu.memory_space<hbm>>, %arg7: memref<13000x8xf32, #tpu.memory_space<hbm>>, %arg8: memref<7x5xf32, #tpu.memory_space<hbm>>, %arg9: memref<96x17xf32, #tpu.memory_space<hbm>>, %arg10: memref<16384x21xf32, #tpu.memory_space<hbm>>, %arg11: memref<4x128xi32, #tpu.memory_space<vmem>>, %arg12: memref<512x8xf32, #tpu.memory_space<vmem>>, %arg13: memref<7x5xf32, #tpu.memory_space<vmem>>, %arg14: memref<96x17xf32, #tpu.memory_space<vmem>>, %arg15: memref<512xi32, #tpu.memory_space<vmem>>, %arg16: memref<512xi32, #tpu.memory_space<vmem>>, %arg17: memref<512xi32, #tpu.memory_space<vmem>>, %arg18: memref<512xf32, #tpu.memory_space<vmem>>, %arg19: memref<512x13xf32, #tpu.memory_space<vmem>>, %arg20: memref<!tpu.dma_semaphore, #tpu.memory_space<semaphore_mem>>, %arg21: memref<!tpu.dma_semaphore, #tpu.memory_space<semaphore_mem>>, %arg22: memref<!tpu.dma_semaphore, #tpu.memory_space<semaphore_mem>>, %arg23: memref<!tpu.dma_semaphore, #tpu.memory_space<semaphore_mem>>, %arg24: memref<!tpu.dma_semaphore, #tpu.memory_space<semaphore_mem>>, %arg25: memref<!tpu.dma_semaphore, #tpu.memory_space<semaphore_mem>>, %arg26: memref<!tpu.dma_semaphore, #tpu.memory_space<semaphore_mem>>) attributes {dimension_semantics = [#tpu.dimension_semantics<core_parallel>, #tpu.dimension_semantics<subcore_parallel>], iteration_bounds = array<i64: 2, 16>, scalar_prefetch = 0 : i64, scratch_operands = 16 : i64, tpu.core_type = #tpu.core_type<sc_vector_subcore>, window_params = [{transform_indices = #map}, {transform_indices = #map1}, {transform_indices = #map1}, {transform_indices = #map1}, {transform_indices = #map1}, {transform_indices = #map2}, {transform_indices = #map2}, {transform_indices = #map2}, {transform_indices = #map2}]} {
    %mul3A = arith.constant 2 : i32
    %mul3A_0 = arith.muli %arg1, %mul3A : i32
    %add3A = arith.addi %mul3A_0, %arg0 : i32
    %mul3A_1 = arith.constant 512 : i32
    %mul3A_2 = arith.muli %add3A, %mul3A_1 : i32
    %dma_start3A = arith.constant 0 : i32
    %dma_start3A_3 = arith.constant 0 : i32
    %dma_start3A_4 = tpu.memref_slice %arg2[%add3A, %dma_start3A, %dma_start3A_3] : memref<32x4x128xi32, #tpu.memory_space<hbm>> -> memref<1x4x128xi32, #tpu.memory_space<hbm>>
    %dma_start3A_5 = tpu.memref_squeeze %dma_start3A_4 : memref<1x4x128xi32, #tpu.memory_space<hbm>> -> memref<4x128xi32, #tpu.memory_space<hbm>>
    %dma_start3A_6 = arith.constant 0 : i32
    %dma_start3A_7 = arith.constant 0 : i32
    %dma_start3A_8 = tpu.memref_slice %arg2[%add3A, %dma_start3A_6, %dma_start3A_7] : memref<32x4x128xi32, #tpu.memory_space<hbm>> -> memref<1x4x128xi32, #tpu.memory_space<hbm>>
    %dma_start3A_9 = tpu.memref_squeeze %dma_start3A_8 : memref<1x4x128xi32, #tpu.memory_space<hbm>> -> memref<4x128xi32, #tpu.memory_space<hbm>>
    tpu.enqueue_dma source(%dma_start3A_9 : memref<4x128xi32, #tpu.memory_space<hbm>>) target(%arg11 : memref<4x128xi32, #tpu.memory_space<vmem>>) target_semaphore(%arg20 : memref<!tpu.dma_semaphore, #tpu.memory_space<semaphore_mem>>)
    %dma_start3A_10 = tpu.memref_slice %arg3[%mul3A_2] : memref<16384xi32, #tpu.memory_space<hbm>> -> memref<512xi32, #tpu.memory_space<hbm>>
    %dma_start3A_11 = tpu.memref_slice %arg3[%mul3A_2] : memref<16384xi32, #tpu.memory_space<hbm>> -> memref<512xi32, #tpu.memory_space<hbm>>
    tpu.enqueue_dma source(%dma_start3A_11 : memref<512xi32, #tpu.memory_space<hbm>>) target(%arg15 : memref<512xi32, #tpu.memory_space<vmem>>) target_semaphore(%arg21 : memref<!tpu.dma_semaphore, #tpu.memory_space<semaphore_mem>>)
    %dma_start3A_12 = tpu.memref_slice %arg4[%mul3A_2] : memref<16384xi32, #tpu.memory_space<hbm>> -> memref<512xi32, #tpu.memory_space<hbm>>
    %dma_start3A_13 = tpu.memref_slice %arg4[%mul3A_2] : memref<16384xi32, #tpu.memory_space<hbm>> -> memref<512xi32, #tpu.memory_space<hbm>>
    tpu.enqueue_dma source(%dma_start3A_13 : memref<512xi32, #tpu.memory_space<hbm>>) target(%arg16 : memref<512xi32, #tpu.memory_space<vmem>>) target_semaphore(%arg21 : memref<!tpu.dma_semaphore, #tpu.memory_space<semaphore_mem>>)
    %dma_start3A_14 = tpu.memref_slice %arg5[%mul3A_2] : memref<16384xi32, #tpu.memory_space<hbm>> -> memref<512xi32, #tpu.memory_space<hbm>>
    %dma_start3A_15 = tpu.memref_slice %arg5[%mul3A_2] : memref<16384xi32, #tpu.memory_space<hbm>> -> memref<512xi32, #tpu.memory_space<hbm>>
    tpu.enqueue_dma source(%dma_start3A_15 : memref<512xi32, #tpu.memory_space<hbm>>) target(%arg17 : memref<512xi32, #tpu.memory_space<vmem>>) target_semaphore(%arg21 : memref<!tpu.dma_semaphore, #tpu.memory_space<semaphore_mem>>)
    %dma_start3A_16 = tpu.memref_slice %arg6[%mul3A_2] : memref<16384xf32, #tpu.memory_space<hbm>> -> memref<512xf32, #tpu.memory_space<hbm>>
    %dma_start3A_17 = tpu.memref_slice %arg6[%mul3A_2] : memref<16384xf32, #tpu.memory_space<hbm>> -> memref<512xf32, #tpu.memory_space<hbm>>
    tpu.enqueue_dma source(%dma_start3A_17 : memref<512xf32, #tpu.memory_space<hbm>>) target(%arg18 : memref<512xf32, #tpu.memory_space<vmem>>) target_semaphore(%arg21 : memref<!tpu.dma_semaphore, #tpu.memory_space<semaphore_mem>>)
    tpu.enqueue_dma source(%arg8 : memref<7x5xf32, #tpu.memory_space<hbm>>) target(%arg13 : memref<7x5xf32, #tpu.memory_space<vmem>>) target_semaphore(%arg21 : memref<!tpu.dma_semaphore, #tpu.memory_space<semaphore_mem>>)
    tpu.enqueue_dma source(%arg9 : memref<96x17xf32, #tpu.memory_space<hbm>>) target(%arg14 : memref<96x17xf32, #tpu.memory_space<vmem>>) target_semaphore(%arg21 : memref<!tpu.dma_semaphore, #tpu.memory_space<semaphore_mem>>)
    %dma_wait3A = arith.constant 0 : i32
    %dma_wait3A_18 = arith.constant 0 : i32
    %dma_wait3A_19 = tpu.memref_slice %arg2[%add3A, %dma_wait3A, %dma_wait3A_18] : memref<32x4x128xi32, #tpu.memory_space<hbm>> -> memref<1x4x128xi32, #tpu.memory_space<hbm>>
    %dma_wait3A_20 = tpu.memref_squeeze %dma_wait3A_19 : memref<1x4x128xi32, #tpu.memory_space<hbm>> -> memref<4x128xi32, #tpu.memory_space<hbm>>
    %dma_wait3A_21 = arith.constant 0 : i32
    %dma_wait3A_22 = arith.constant 0 : i32
    %dma_wait3A_23 = tpu.memref_slice %arg2[%add3A, %dma_wait3A_21, %dma_wait3A_22] : memref<32x4x128xi32, #tpu.memory_space<hbm>> -> memref<1x4x128xi32, #tpu.memory_space<hbm>>
    %dma_wait3A_24 = tpu.memref_squeeze %dma_wait3A_23 : memref<1x4x128xi32, #tpu.memory_space<hbm>> -> memref<4x128xi32, #tpu.memory_space<hbm>>
    tpu.wait_dma2 semaphore(%arg20 : memref<!tpu.dma_semaphore, #tpu.memory_space<semaphore_mem>>) src(%dma_wait3A_24 : memref<4x128xi32, #tpu.memory_space<hbm>>) dst(%arg11 : memref<4x128xi32, #tpu.memory_space<vmem>>)
    %dma_start3A_25 = arith.constant 0 : i32
    %dma_start3A_26 = arith.constant 0 : i32
    %dma_start3A_27 = arith.constant 0 : i32
    %dma_start3A_28 = tpu.memref_slice %arg12[%dma_start3A_26, %dma_start3A_27] : memref<512x8xf32, #tpu.memory_space<vmem>> -> memref<128x8xf32, #tpu.memory_space<vmem>>
    %dma_start3A_29 = arith.constant 0 : i32
    %dma_start3A_30 = tpu.memref_slice %arg11[%dma_start3A_25, %dma_start3A_29] : memref<4x128xi32, #tpu.memory_space<vmem>> -> memref<1x128xi32, #tpu.memory_space<vmem>>
    %dma_start3A_31 = tpu.memref_squeeze %dma_start3A_30 : memref<1x128xi32, #tpu.memory_space<vmem>> -> memref<128xi32, #tpu.memory_space<vmem>>
    %dma_start3A_32 = arith.constant 0 : i32
    %dma_start3A_33 = arith.constant 0 : i32
    %dma_start3A_34 = tpu.memref_slice %arg7[%dma_start3A_32, %dma_start3A_33] : memref<13000x8xf32, #tpu.memory_space<hbm>> -> memref<13000x8xf32, #tpu.memory_space<hbm>>
    tpu.enqueue_indirect_dma source(%dma_start3A_34 : memref<13000x8xf32, #tpu.memory_space<hbm>>) target(%dma_start3A_28 : memref<128x8xf32, #tpu.memory_space<vmem>>) offsets(%dma_start3A_31 : memref<128xi32, #tpu.memory_space<vmem>>) semaphore(%arg22 : memref<!tpu.dma_semaphore, #tpu.memory_space<semaphore_mem>>)
    %dma_start3A_35 = arith.constant 1 : i32
    %dma_start3A_36 = arith.constant 128 : i32
    %dma_start3A_37 = arith.constant 0 : i32
    %dma_start3A_38 = tpu.memref_slice %arg12[%dma_start3A_36, %dma_start3A_37] : memref<512x8xf32, #tpu.memory_space<vmem>> -> memref<128x8xf32, #tpu.memory_space<vmem>>
    %dma_start3A_39 = arith.constant 0 : i32
    %dma_start3A_40 = tpu.memref_slice %arg11[%dma_start3A_35, %dma_start3A_39] : memref<4x128xi32, #tpu.memory_space<vmem>> -> memref<1x128xi32, #tpu.memory_space<vmem>>
    %dma_start3A_41 = tpu.memref_squeeze %dma_start3A_40 : memref<1x128xi32, #tpu.memory_space<vmem>> -> memref<128xi32, #tpu.memory_space<vmem>>
    %dma_start3A_42 = arith.constant 0 : i32
    %dma_start3A_43 = arith.constant 0 : i32
    %dma_start3A_44 = tpu.memref_slice %arg7[%dma_start3A_42, %dma_start3A_43] : memref<13000x8xf32, #tpu.memory_space<hbm>> -> memref<13000x8xf32, #tpu.memory_space<hbm>>
    tpu.enqueue_indirect_dma source(%dma_start3A_44 : memref<13000x8xf32, #tpu.memory_space<hbm>>) target(%dma_start3A_38 : memref<128x8xf32, #tpu.memory_space<vmem>>) offsets(%dma_start3A_41 : memref<128xi32, #tpu.memory_space<vmem>>) semaphore(%arg23 : memref<!tpu.dma_semaphore, #tpu.memory_space<semaphore_mem>>)
    %dma_start3A_45 = arith.constant 2 : i32
    %dma_start3A_46 = arith.constant 256 : i32
    %dma_start3A_47 = arith.constant 0 : i32
    %dma_start3A_48 = tpu.memref_slice %arg12[%dma_start3A_46, %dma_start3A_47] : memref<512x8xf32, #tpu.memory_space<vmem>> -> memref<128x8xf32, #tpu.memory_space<vmem>>
    %dma_start3A_49 = arith.constant 0 : i32
    %dma_start3A_50 = tpu.memref_slice %arg11[%dma_start3A_45, %dma_start3A_49] : memref<4x128xi32, #tpu.memory_space<vmem>> -> memref<1x128xi32, #tpu.memory_space<vmem>>
    %dma_start3A_51 = tpu.memref_squeeze %dma_start3A_50 : memref<1x128xi32, #tpu.memory_space<vmem>> -> memref<128xi32, #tpu.memory_space<vmem>>
    %dma_start3A_52 = arith.constant 0 : i32
    %dma_start3A_53 = arith.constant 0 : i32
    %dma_start3A_54 = tpu.memref_slice %arg7[%dma_start3A_52, %dma_start3A_53] : memref<13000x8xf32, #tpu.memory_space<hbm>> -> memref<13000x8xf32, #tpu.memory_space<hbm>>
    tpu.enqueue_indirect_dma source(%dma_start3A_54 : memref<13000x8xf32, #tpu.memory_space<hbm>>) target(%dma_start3A_48 : memref<128x8xf32, #tpu.memory_space<vmem>>) offsets(%dma_start3A_51 : memref<128xi32, #tpu.memory_space<vmem>>) semaphore(%arg24 : memref<!tpu.dma_semaphore, #tpu.memory_space<semaphore_mem>>)
    %dma_start3A_55 = arith.constant 3 : i32
    %dma_start3A_56 = arith.constant 384 : i32
    %dma_start3A_57 = arith.constant 0 : i32
    %dma_start3A_58 = tpu.memref_slice %arg12[%dma_start3A_56, %dma_start3A_57] : memref<512x8xf32, #tpu.memory_space<vmem>> -> memref<128x8xf32, #tpu.memory_space<vmem>>
    %dma_start3A_59 = arith.constant 0 : i32
    %dma_start3A_60 = tpu.memref_slice %arg11[%dma_start3A_55, %dma_start3A_59] : memref<4x128xi32, #tpu.memory_space<vmem>> -> memref<1x128xi32, #tpu.memory_space<vmem>>
    %dma_start3A_61 = tpu.memref_squeeze %dma_start3A_60 : memref<1x128xi32, #tpu.memory_space<vmem>> -> memref<128xi32, #tpu.memory_space<vmem>>
    %dma_start3A_62 = arith.constant 0 : i32
    %dma_start3A_63 = arith.constant 0 : i32
    %dma_start3A_64 = tpu.memref_slice %arg7[%dma_start3A_62, %dma_start3A_63] : memref<13000x8xf32, #tpu.memory_space<hbm>> -> memref<13000x8xf32, #tpu.memory_space<hbm>>
    tpu.enqueue_indirect_dma source(%dma_start3A_64 : memref<13000x8xf32, #tpu.memory_space<hbm>>) target(%dma_start3A_58 : memref<128x8xf32, #tpu.memory_space<vmem>>) offsets(%dma_start3A_61 : memref<128xi32, #tpu.memory_space<vmem>>) semaphore(%arg25 : memref<!tpu.dma_semaphore, #tpu.memory_space<semaphore_mem>>)
    %dma_wait3A_65 = tpu.memref_slice %arg3[%mul3A_2] : memref<16384xi32, #tpu.memory_space<hbm>> -> memref<512xi32, #tpu.memory_space<hbm>>
    %dma_wait3A_66 = tpu.memref_slice %arg3[%mul3A_2] : memref<16384xi32, #tpu.memory_space<hbm>> -> memref<512xi32, #tpu.memory_space<hbm>>
    tpu.wait_dma2 semaphore(%arg21 : memref<!tpu.dma_semaphore, #tpu.memory_space<semaphore_mem>>) src(%dma_wait3A_66 : memref<512xi32, #tpu.memory_space<hbm>>) dst(%arg15 : memref<512xi32, #tpu.memory_space<vmem>>)
    %dma_wait3A_67 = tpu.memref_slice %arg4[%mul3A_2] : memref<16384xi32, #tpu.memory_space<hbm>> -> memref<512xi32, #tpu.memory_space<hbm>>
    %dma_wait3A_68 = tpu.memref_slice %arg4[%mul3A_2] : memref<16384xi32, #tpu.memory_space<hbm>> -> memref<512xi32, #tpu.memory_space<hbm>>
    tpu.wait_dma2 semaphore(%arg21 : memref<!tpu.dma_semaphore, #tpu.memory_space<semaphore_mem>>) src(%dma_wait3A_68 : memref<512xi32, #tpu.memory_space<hbm>>) dst(%arg16 : memref<512xi32, #tpu.memory_space<vmem>>)
    %dma_wait3A_69 = tpu.memref_slice %arg5[%mul3A_2] : memref<16384xi32, #tpu.memory_space<hbm>> -> memref<512xi32, #tpu.memory_space<hbm>>
    %dma_wait3A_70 = tpu.memref_slice %arg5[%mul3A_2] : memref<16384xi32, #tpu.memory_space<hbm>> -> memref<512xi32, #tpu.memory_space<hbm>>
    tpu.wait_dma2 semaphore(%arg21 : memref<!tpu.dma_semaphore, #tpu.memory_space<semaphore_mem>>) src(%dma_wait3A_70 : memref<512xi32, #tpu.memory_space<hbm>>) dst(%arg17 : memref<512xi32, #tpu.memory_space<vmem>>)
    %dma_wait3A_71 = tpu.memref_slice %arg6[%mul3A_2] : memref<16384xf32, #tpu.memory_space<hbm>> -> memref<512xf32, #tpu.memory_space<hbm>>
    %dma_wait3A_72 = tpu.memref_slice %arg6[%mul3A_2] : memref<16384xf32, #tpu.memory_space<hbm>> -> memref<512xf32, #tpu.memory_space<hbm>>
    tpu.wait_dma2 semaphore(%arg21 : memref<!tpu.dma_semaphore, #tpu.memory_space<semaphore_mem>>) src(%dma_wait3A_72 : memref<512xf32, #tpu.memory_space<hbm>>) dst(%arg18 : memref<512xf32, #tpu.memory_space<vmem>>)
    tpu.wait_dma2 semaphore(%arg21 : memref<!tpu.dma_semaphore, #tpu.memory_space<semaphore_mem>>) src(%arg8 : memref<7x5xf32, #tpu.memory_space<hbm>>) dst(%arg13 : memref<7x5xf32, #tpu.memory_space<vmem>>)
    tpu.wait_dma2 semaphore(%arg21 : memref<!tpu.dma_semaphore, #tpu.memory_space<semaphore_mem>>) src(%arg9 : memref<96x17xf32, #tpu.memory_space<hbm>>) dst(%arg14 : memref<96x17xf32, #tpu.memory_space<vmem>>)
    %parallel_loop3A = arith.constant 0 : i32
    %parallel_loop3A_73 = arith.constant 8 : i32
    %parallel_loop3A_74 = arith.constant 1 : i32
    scf.for %parallel_loop3A_300 = %parallel_loop3A to %parallel_loop3A_73 step %parallel_loop3A_74  : i32 {
      %parallel_loop3A_301 = arith.constant 16 : i32
      %parallel_loop3A_302 = arith.muli %parallel_loop3A_300, %parallel_loop3A_301 : i32
      %parallel_loop3A_303 = tpu.assume_multiple %parallel_loop3A_302, 16 : i32
      %parallel_loop3A_304 = tpu.iota {dimensions = array<i32: 0>} : vector<16xi32>
      %parallel_loop3A_305 = vector.broadcast %parallel_loop3A_303 : i32 to vector<16xi32>
      %parallel_loop3A_306 = arith.addi %parallel_loop3A_305, %parallel_loop3A_304 : vector<16xi32>
      %parallel_loop3A_307 = arith.index_cast %parallel_loop3A_303 : i32 to index
      %parallel_loop3A_308 = tpu.vector_load %arg15[%parallel_loop3A_307] {strides = array<i32>} : memref<512xi32, #tpu.memory_space<vmem>>, vector<16xi32>,
      %parallel_loop3A_309 = arith.constant 0 : i32
      %parallel_loop3A_310 = vector.broadcast %parallel_loop3A_309 : i32 to vector<16xi32>
      %parallel_loop3A_311 = tpu.vector_load_idx %arg13[%parallel_loop3A_308, %parallel_loop3A_310] : memref<7x5xf32, #tpu.memory_space<vmem>>[vector<16xi32>, vector<16xi32>], vector<16xf32>,
      %parallel_loop3A_312 = arith.constant 0 : i32
      %parallel_loop3A_313 = vector.broadcast %parallel_loop3A_312 : i32 to vector<16xi32>
      tpu.vector_store_idx %arg19[%parallel_loop3A_306, %parallel_loop3A_313], %parallel_loop3A_311 : memref<512x13xf32, #tpu.memory_space<vmem>>[vector<16xi32>, vector<16xi32>], vector<16xf32>,
      %parallel_loop3A_314 = arith.constant 1 : i32
      %parallel_loop3A_315 = vector.broadcast %parallel_loop3A_314 : i32 to vector<16xi32>
      %parallel_loop3A_316 = tpu.vector_load_idx %arg13[%parallel_loop3A_308, %parallel_loop3A_315] : memref<7x5xf32, #tpu.memory_space<vmem>>[vector<16xi32>, vector<16xi32>], vector<16xf32>,
      %parallel_loop3A_317 = arith.constant 1 : i32
      %parallel_loop3A_318 = vector.broadcast %parallel_loop3A_317 : i32 to vector<16xi32>
      tpu.vector_store_idx %arg19[%parallel_loop3A_306, %parallel_loop3A_318], %parallel_loop3A_316 : memref<512x13xf32, #tpu.memory_space<vmem>>[vector<16xi32>, vector<16xi32>], vector<16xf32>,
      %parallel_loop3A_319 = arith.constant 2 : i32
      %parallel_loop3A_320 = vector.broadcast %parallel_loop3A_319 : i32 to vector<16xi32>
      %parallel_loop3A_321 = tpu.vector_load_idx %arg13[%parallel_loop3A_308, %parallel_loop3A_320] : memref<7x5xf32, #tpu.memory_space<vmem>>[vector<16xi32>, vector<16xi32>], vector<16xf32>,
      %parallel_loop3A_322 = arith.constant 2 : i32
      %parallel_loop3A_323 = vector.broadcast %parallel_loop3A_322 : i32 to vector<16xi32>
      tpu.vector_store_idx %arg19[%parallel_loop3A_306, %parallel_loop3A_323], %parallel_loop3A_321 : memref<512x13xf32, #tpu.memory_space<vmem>>[vector<16xi32>, vector<16xi32>], vector<16xf32>,
      %parallel_loop3A_324 = arith.index_cast %parallel_loop3A_303 : i32 to index
      %parallel_loop3A_325 = tpu.vector_load %arg16[%parallel_loop3A_324] {strides = array<i32>} : memref<512xi32, #tpu.memory_space<vmem>>, vector<16xi32>,
      %parallel_loop3A_326 = arith.constant 0 : i32
      %parallel_loop3A_327 = vector.broadcast %parallel_loop3A_326 : i32 to vector<16xi32>
      %parallel_loop3A_328 = tpu.vector_load_idx %arg14[%parallel_loop3A_325, %parallel_loop3A_327] : memref<96x17xf32, #tpu.memory_space<vmem>>[vector<16xi32>, vector<16xi32>], vector<16xf32>,
      %parallel_loop3A_329 = arith.constant 3 : i32
      %parallel_loop3A_330 = vector.broadcast %parallel_loop3A_329 : i32 to vector<16xi32>
      tpu.vector_store_idx %arg19[%parallel_loop3A_306, %parallel_loop3A_330], %parallel_loop3A_328 : memref<512x13xf32, #tpu.memory_space<vmem>>[vector<16xi32>, vector<16xi32>], vector<16xf32>,
      %parallel_loop3A_331 = arith.constant 1 : i32
      %parallel_loop3A_332 = vector.broadcast %parallel_loop3A_331 : i32 to vector<16xi32>
      %parallel_loop3A_333 = tpu.vector_load_idx %arg14[%parallel_loop3A_325, %parallel_loop3A_332] : memref<96x17xf32, #tpu.memory_space<vmem>>[vector<16xi32>, vector<16xi32>], vector<16xf32>,
      %parallel_loop3A_334 = arith.constant 4 : i32
      %parallel_loop3A_335 = vector.broadcast %parallel_loop3A_334 : i32 to vector<16xi32>
      tpu.vector_store_idx %arg19[%parallel_loop3A_306, %parallel_loop3A_335], %parallel_loop3A_333 : memref<512x13xf32, #tpu.memory_space<vmem>>[vector<16xi32>, vector<16xi32>], vector<16xf32>,
      %parallel_loop3A_336 = arith.constant 2 : i32
      %parallel_loop3A_337 = vector.broadcast %parallel_loop3A_336 : i32 to vector<16xi32>
      %parallel_loop3A_338 = tpu.vector_load_idx %arg14[%parallel_loop3A_325, %parallel_loop3A_337] : memref<96x17xf32, #tpu.memory_space<vmem>>[vector<16xi32>, vector<16xi32>], vector<16xf32>,
      %parallel_loop3A_339 = arith.constant 5 : i32
      %parallel_loop3A_340 = vector.broadcast %parallel_loop3A_339 : i32 to vector<16xi32>
      tpu.vector_store_idx %arg19[%parallel_loop3A_306, %parallel_loop3A_340], %parallel_loop3A_338 : memref<512x13xf32, #tpu.memory_space<vmem>>[vector<16xi32>, vector<16xi32>], vector<16xf32>,
      %parallel_loop3A_341 = arith.constant 3 : i32
      %parallel_loop3A_342 = vector.broadcast %parallel_loop3A_341 : i32 to vector<16xi32>
      %parallel_loop3A_343 = tpu.vector_load_idx %arg14[%parallel_loop3A_325, %parallel_loop3A_342] : memref<96x17xf32, #tpu.memory_space<vmem>>[vector<16xi32>, vector<16xi32>], vector<16xf32>,
      %parallel_loop3A_344 = arith.constant 6 : i32
      %parallel_loop3A_345 = vector.broadcast %parallel_loop3A_344 : i32 to vector<16xi32>
      tpu.vector_store_idx %arg19[%parallel_loop3A_306, %parallel_loop3A_345], %parallel_loop3A_343 : memref<512x13xf32, #tpu.memory_space<vmem>>[vector<16xi32>, vector<16xi32>], vector<16xf32>,
      %parallel_loop3A_346 = arith.constant 4 : i32
      %parallel_loop3A_347 = vector.broadcast %parallel_loop3A_346 : i32 to vector<16xi32>
      %parallel_loop3A_348 = tpu.vector_load_idx %arg14[%parallel_loop3A_325, %parallel_loop3A_347] : memref<96x17xf32, #tpu.memory_space<vmem>>[vector<16xi32>, vector<16xi32>], vector<16xf32>,
      %parallel_loop3A_349 = arith.constant 7 : i32
      %parallel_loop3A_350 = vector.broadcast %parallel_loop3A_349 : i32 to vector<16xi32>
      tpu.vector_store_idx %arg19[%parallel_loop3A_306, %parallel_loop3A_350], %parallel_loop3A_348 : memref<512x13xf32, #tpu.memory_space<vmem>>[vector<16xi32>, vector<16xi32>], vector<16xf32>,
      %parallel_loop3A_351 = arith.constant 5 : i32
      %parallel_loop3A_352 = vector.broadcast %parallel_loop3A_351 : i32 to vector<16xi32>
      %parallel_loop3A_353 = tpu.vector_load_idx %arg14[%parallel_loop3A_325, %parallel_loop3A_352] : memref<96x17xf32, #tpu.memory_space<vmem>>[vector<16xi32>, vector<16xi32>], vector<16xf32>,
      %parallel_loop3A_354 = arith.constant 8 : i32
      %parallel_loop3A_355 = vector.broadcast %parallel_loop3A_354 : i32 to vector<16xi32>
      tpu.vector_store_idx %arg19[%parallel_loop3A_306, %parallel_loop3A_355], %parallel_loop3A_353 : memref<512x13xf32, #tpu.memory_space<vmem>>[vector<16xi32>, vector<16xi32>], vector<16xf32>,
      %parallel_loop3A_356 = arith.constant 6 : i32
      %parallel_loop3A_357 = vector.broadcast %parallel_loop3A_356 : i32 to vector<16xi32>
      %parallel_loop3A_358 = tpu.vector_load_idx %arg14[%parallel_loop3A_325, %parallel_loop3A_357] : memref<96x17xf32, #tpu.memory_space<vmem>>[vector<16xi32>, vector<16xi32>], vector<16xf32>,
      %parallel_loop3A_359 = arith.constant 9 : i32
      %parallel_loop3A_360 = vector.broadcast %parallel_loop3A_359 : i32 to vector<16xi32>
      tpu.vector_store_idx %arg19[%parallel_loop3A_306, %parallel_loop3A_360], %parallel_loop3A_358 : memref<512x13xf32, #tpu.memory_space<vmem>>[vector<16xi32>, vector<16xi32>], vector<16xf32>,
      %parallel_loop3A_361 = arith.constant 7 : i32
      %parallel_loop3A_362 = vector.broadcast %parallel_loop3A_361 : i32 to vector<16xi32>
      %parallel_loop3A_363 = tpu.vector_load_idx %arg14[%parallel_loop3A_325, %parallel_loop3A_362] : memref<96x17xf32, #tpu.memory_space<vmem>>[vector<16xi32>, vector<16xi32>], vector<16xf32>,
      %parallel_loop3A_364 = arith.constant 10 : i32
      %parallel_loop3A_365 = vector.broadcast %parallel_loop3A_364 : i32 to vector<16xi32>
      tpu.vector_store_idx %arg19[%parallel_loop3A_306, %parallel_loop3A_365], %parallel_loop3A_363 : memref<512x13xf32, #tpu.memory_space<vmem>>[vector<16xi32>, vector<16xi32>], vector<16xf32>,
      %parallel_loop3A_366 = arith.index_cast %parallel_loop3A_303 : i32 to index
      %parallel_loop3A_367 = tpu.vector_load %arg18[%parallel_loop3A_366] {strides = array<i32>} : memref<512xf32, #tpu.memory_space<vmem>>, vector<16xf32>,
      %parallel_loop3A_368 = arith.constant 11 : i32
      %parallel_loop3A_369 = vector.broadcast %parallel_loop3A_368 : i32 to vector<16xi32>
      tpu.vector_store_idx %arg19[%parallel_loop3A_306, %parallel_loop3A_369], %parallel_loop3A_367 : memref<512x13xf32, #tpu.memory_space<vmem>>[vector<16xi32>, vector<16xi32>], vector<16xf32>,
      %parallel_loop3A_370 = arith.index_cast %parallel_loop3A_303 : i32 to index
      %parallel_loop3A_371 = tpu.vector_load %arg17[%parallel_loop3A_370] {strides = array<i32>} : memref<512xi32, #tpu.memory_space<vmem>>, vector<16xi32>,
      %parallel_loop3A_372 = arith.sitofp %parallel_loop3A_371 : vector<16xi32> to vector<16xf32>
      %parallel_loop3A_373 = arith.constant 12 : i32
      %parallel_loop3A_374 = vector.broadcast %parallel_loop3A_373 : i32 to vector<16xi32>
      tpu.vector_store_idx %arg19[%parallel_loop3A_306, %parallel_loop3A_374], %parallel_loop3A_372 : memref<512x13xf32, #tpu.memory_space<vmem>>[vector<16xi32>, vector<16xi32>], vector<16xf32>,
    } {sc.loop_unroll_factor = 8 : i64, sc.parallel_access}
    %add3A_75 = arith.constant 0 : i32
    %add3A_76 = arith.addi %mul3A_2, %add3A_75 : i32
    %dma_start3A_77 = arith.constant 0 : i32
    %dma_start3A_78 = arith.constant 0 : i32
    %dma_start3A_79 = tpu.memref_slice %arg19[%dma_start3A_77, %dma_start3A_78] : memref<512x13xf32, #tpu.memory_space<vmem>> -> memref<128x13xf32, #tpu.memory_space<vmem>>
    %dma_start3A_80 = arith.constant 8 : i32
    %dma_start3A_81 = tpu.memref_slice %arg10[%add3A_76, %dma_start3A_80] : memref<16384x21xf32, #tpu.memory_space<hbm>> -> memref<128x13xf32, #tpu.memory_space<hbm>>
    %dma_start3A_82 = arith.constant 8 : i32
    %dma_start3A_83 = tpu.memref_slice %arg10[%add3A_76, %dma_start3A_82] : memref<16384x21xf32, #tpu.memory_space<hbm>> -> memref<128x13xf32, #tpu.memory_space<hbm>>
    %dma_start3A_84 = arith.constant 0 : i32
    %dma_start3A_85 = arith.constant 0 : i32
    %dma_start3A_86 = tpu.memref_slice %arg19[%dma_start3A_84, %dma_start3A_85] : memref<512x13xf32, #tpu.memory_space<vmem>> -> memref<128x13xf32, #tpu.memory_space<vmem>>
    tpu.enqueue_dma source(%dma_start3A_86 : memref<128x13xf32, #tpu.memory_space<vmem>>) target(%dma_start3A_83 : memref<128x13xf32, #tpu.memory_space<hbm>>) target_semaphore(%arg26 : memref<!tpu.dma_semaphore, #tpu.memory_space<semaphore_mem>>)
    %parallel_loop3A_87 = arith.constant 8 : i32
    %parallel_loop3A_88 = arith.constant 16 : i32
    %parallel_loop3A_89 = arith.constant 1 : i32
    scf.for %parallel_loop3A_300 = %parallel_loop3A_87 to %parallel_loop3A_88 step %parallel_loop3A_89  : i32 {
      %parallel_loop3A_301 = arith.constant 16 : i32
      %parallel_loop3A_302 = arith.muli %parallel_loop3A_300, %parallel_loop3A_301 : i32
      %parallel_loop3A_303 = tpu.assume_multiple %parallel_loop3A_302, 16 : i32
      %parallel_loop3A_304 = tpu.iota {dimensions = array<i32: 0>} : vector<16xi32>
      %parallel_loop3A_305 = vector.broadcast %parallel_loop3A_303 : i32 to vector<16xi32>
      %parallel_loop3A_306 = arith.addi %parallel_loop3A_305, %parallel_loop3A_304 : vector<16xi32>
      %parallel_loop3A_307 = arith.index_cast %parallel_loop3A_303 : i32 to index
      %parallel_loop3A_308 = tpu.vector_load %arg15[%parallel_loop3A_307] {strides = array<i32>} : memref<512xi32, #tpu.memory_space<vmem>>, vector<16xi32>,
      %parallel_loop3A_309 = arith.constant 0 : i32
      %parallel_loop3A_310 = vector.broadcast %parallel_loop3A_309 : i32 to vector<16xi32>
      %parallel_loop3A_311 = tpu.vector_load_idx %arg13[%parallel_loop3A_308, %parallel_loop3A_310] : memref<7x5xf32, #tpu.memory_space<vmem>>[vector<16xi32>, vector<16xi32>], vector<16xf32>,
      %parallel_loop3A_312 = arith.constant 0 : i32
      %parallel_loop3A_313 = vector.broadcast %parallel_loop3A_312 : i32 to vector<16xi32>
      tpu.vector_store_idx %arg19[%parallel_loop3A_306, %parallel_loop3A_313], %parallel_loop3A_311 : memref<512x13xf32, #tpu.memory_space<vmem>>[vector<16xi32>, vector<16xi32>], vector<16xf32>,
      %parallel_loop3A_314 = arith.constant 1 : i32
      %parallel_loop3A_315 = vector.broadcast %parallel_loop3A_314 : i32 to vector<16xi32>
      %parallel_loop3A_316 = tpu.vector_load_idx %arg13[%parallel_loop3A_308, %parallel_loop3A_315] : memref<7x5xf32, #tpu.memory_space<vmem>>[vector<16xi32>, vector<16xi32>], vector<16xf32>,
      %parallel_loop3A_317 = arith.constant 1 : i32
      %parallel_loop3A_318 = vector.broadcast %parallel_loop3A_317 : i32 to vector<16xi32>
      tpu.vector_store_idx %arg19[%parallel_loop3A_306, %parallel_loop3A_318], %parallel_loop3A_316 : memref<512x13xf32, #tpu.memory_space<vmem>>[vector<16xi32>, vector<16xi32>], vector<16xf32>,
      %parallel_loop3A_319 = arith.constant 2 : i32
      %parallel_loop3A_320 = vector.broadcast %parallel_loop3A_319 : i32 to vector<16xi32>
      %parallel_loop3A_321 = tpu.vector_load_idx %arg13[%parallel_loop3A_308, %parallel_loop3A_320] : memref<7x5xf32, #tpu.memory_space<vmem>>[vector<16xi32>, vector<16xi32>], vector<16xf32>,
      %parallel_loop3A_322 = arith.constant 2 : i32
      %parallel_loop3A_323 = vector.broadcast %parallel_loop3A_322 : i32 to vector<16xi32>
      tpu.vector_store_idx %arg19[%parallel_loop3A_306, %parallel_loop3A_323], %parallel_loop3A_321 : memref<512x13xf32, #tpu.memory_space<vmem>>[vector<16xi32>, vector<16xi32>], vector<16xf32>,
      %parallel_loop3A_324 = arith.index_cast %parallel_loop3A_303 : i32 to index
      %parallel_loop3A_325 = tpu.vector_load %arg16[%parallel_loop3A_324] {strides = array<i32>} : memref<512xi32, #tpu.memory_space<vmem>>, vector<16xi32>,
      %parallel_loop3A_326 = arith.constant 0 : i32
      %parallel_loop3A_327 = vector.broadcast %parallel_loop3A_326 : i32 to vector<16xi32>
      %parallel_loop3A_328 = tpu.vector_load_idx %arg14[%parallel_loop3A_325, %parallel_loop3A_327] : memref<96x17xf32, #tpu.memory_space<vmem>>[vector<16xi32>, vector<16xi32>], vector<16xf32>,
      %parallel_loop3A_329 = arith.constant 3 : i32
      %parallel_loop3A_330 = vector.broadcast %parallel_loop3A_329 : i32 to vector<16xi32>
      tpu.vector_store_idx %arg19[%parallel_loop3A_306, %parallel_loop3A_330], %parallel_loop3A_328 : memref<512x13xf32, #tpu.memory_space<vmem>>[vector<16xi32>, vector<16xi32>], vector<16xf32>,
      %parallel_loop3A_331 = arith.constant 1 : i32
      %parallel_loop3A_332 = vector.broadcast %parallel_loop3A_331 : i32 to vector<16xi32>
      %parallel_loop3A_333 = tpu.vector_load_idx %arg14[%parallel_loop3A_325, %parallel_loop3A_332] : memref<96x17xf32, #tpu.memory_space<vmem>>[vector<16xi32>, vector<16xi32>], vector<16xf32>,
      %parallel_loop3A_334 = arith.constant 4 : i32
      %parallel_loop3A_335 = vector.broadcast %parallel_loop3A_334 : i32 to vector<16xi32>
      tpu.vector_store_idx %arg19[%parallel_loop3A_306, %parallel_loop3A_335], %parallel_loop3A_333 : memref<512x13xf32, #tpu.memory_space<vmem>>[vector<16xi32>, vector<16xi32>], vector<16xf32>,
      %parallel_loop3A_336 = arith.constant 2 : i32
      %parallel_loop3A_337 = vector.broadcast %parallel_loop3A_336 : i32 to vector<16xi32>
      %parallel_loop3A_338 = tpu.vector_load_idx %arg14[%parallel_loop3A_325, %parallel_loop3A_337] : memref<96x17xf32, #tpu.memory_space<vmem>>[vector<16xi32>, vector<16xi32>], vector<16xf32>,
      %parallel_loop3A_339 = arith.constant 5 : i32
      %parallel_loop3A_340 = vector.broadcast %parallel_loop3A_339 : i32 to vector<16xi32>
      tpu.vector_store_idx %arg19[%parallel_loop3A_306, %parallel_loop3A_340], %parallel_loop3A_338 : memref<512x13xf32, #tpu.memory_space<vmem>>[vector<16xi32>, vector<16xi32>], vector<16xf32>,
      %parallel_loop3A_341 = arith.constant 3 : i32
      %parallel_loop3A_342 = vector.broadcast %parallel_loop3A_341 : i32 to vector<16xi32>
      %parallel_loop3A_343 = tpu.vector_load_idx %arg14[%parallel_loop3A_325, %parallel_loop3A_342] : memref<96x17xf32, #tpu.memory_space<vmem>>[vector<16xi32>, vector<16xi32>], vector<16xf32>,
      %parallel_loop3A_344 = arith.constant 6 : i32
      %parallel_loop3A_345 = vector.broadcast %parallel_loop3A_344 : i32 to vector<16xi32>
      tpu.vector_store_idx %arg19[%parallel_loop3A_306, %parallel_loop3A_345], %parallel_loop3A_343 : memref<512x13xf32, #tpu.memory_space<vmem>>[vector<16xi32>, vector<16xi32>], vector<16xf32>,
      %parallel_loop3A_346 = arith.constant 4 : i32
      %parallel_loop3A_347 = vector.broadcast %parallel_loop3A_346 : i32 to vector<16xi32>
      %parallel_loop3A_348 = tpu.vector_load_idx %arg14[%parallel_loop3A_325, %parallel_loop3A_347] : memref<96x17xf32, #tpu.memory_space<vmem>>[vector<16xi32>, vector<16xi32>], vector<16xf32>,
      %parallel_loop3A_349 = arith.constant 7 : i32
      %parallel_loop3A_350 = vector.broadcast %parallel_loop3A_349 : i32 to vector<16xi32>
      tpu.vector_store_idx %arg19[%parallel_loop3A_306, %parallel_loop3A_350], %parallel_loop3A_348 : memref<512x13xf32, #tpu.memory_space<vmem>>[vector<16xi32>, vector<16xi32>], vector<16xf32>,
      %parallel_loop3A_351 = arith.constant 5 : i32
      %parallel_loop3A_352 = vector.broadcast %parallel_loop3A_351 : i32 to vector<16xi32>
      %parallel_loop3A_353 = tpu.vector_load_idx %arg14[%parallel_loop3A_325, %parallel_loop3A_352] : memref<96x17xf32, #tpu.memory_space<vmem>>[vector<16xi32>, vector<16xi32>], vector<16xf32>,
      %parallel_loop3A_354 = arith.constant 8 : i32
      %parallel_loop3A_355 = vector.broadcast %parallel_loop3A_354 : i32 to vector<16xi32>
      tpu.vector_store_idx %arg19[%parallel_loop3A_306, %parallel_loop3A_355], %parallel_loop3A_353 : memref<512x13xf32, #tpu.memory_space<vmem>>[vector<16xi32>, vector<16xi32>], vector<16xf32>,
      %parallel_loop3A_356 = arith.constant 6 : i32
      %parallel_loop3A_357 = vector.broadcast %parallel_loop3A_356 : i32 to vector<16xi32>
      %parallel_loop3A_358 = tpu.vector_load_idx %arg14[%parallel_loop3A_325, %parallel_loop3A_357] : memref<96x17xf32, #tpu.memory_space<vmem>>[vector<16xi32>, vector<16xi32>], vector<16xf32>,
      %parallel_loop3A_359 = arith.constant 9 : i32
      %parallel_loop3A_360 = vector.broadcast %parallel_loop3A_359 : i32 to vector<16xi32>
      tpu.vector_store_idx %arg19[%parallel_loop3A_306, %parallel_loop3A_360], %parallel_loop3A_358 : memref<512x13xf32, #tpu.memory_space<vmem>>[vector<16xi32>, vector<16xi32>], vector<16xf32>,
      %parallel_loop3A_361 = arith.constant 7 : i32
      %parallel_loop3A_362 = vector.broadcast %parallel_loop3A_361 : i32 to vector<16xi32>
      %parallel_loop3A_363 = tpu.vector_load_idx %arg14[%parallel_loop3A_325, %parallel_loop3A_362] : memref<96x17xf32, #tpu.memory_space<vmem>>[vector<16xi32>, vector<16xi32>], vector<16xf32>,
      %parallel_loop3A_364 = arith.constant 10 : i32
      %parallel_loop3A_365 = vector.broadcast %parallel_loop3A_364 : i32 to vector<16xi32>
      tpu.vector_store_idx %arg19[%parallel_loop3A_306, %parallel_loop3A_365], %parallel_loop3A_363 : memref<512x13xf32, #tpu.memory_space<vmem>>[vector<16xi32>, vector<16xi32>], vector<16xf32>,
      %parallel_loop3A_366 = arith.index_cast %parallel_loop3A_303 : i32 to index
      %parallel_loop3A_367 = tpu.vector_load %arg18[%parallel_loop3A_366] {strides = array<i32>} : memref<512xf32, #tpu.memory_space<vmem>>, vector<16xf32>,
      %parallel_loop3A_368 = arith.constant 11 : i32
      %parallel_loop3A_369 = vector.broadcast %parallel_loop3A_368 : i32 to vector<16xi32>
      tpu.vector_store_idx %arg19[%parallel_loop3A_306, %parallel_loop3A_369], %parallel_loop3A_367 : memref<512x13xf32, #tpu.memory_space<vmem>>[vector<16xi32>, vector<16xi32>], vector<16xf32>,
      %parallel_loop3A_370 = arith.index_cast %parallel_loop3A_303 : i32 to index
      %parallel_loop3A_371 = tpu.vector_load %arg17[%parallel_loop3A_370] {strides = array<i32>} : memref<512xi32, #tpu.memory_space<vmem>>, vector<16xi32>,
      %parallel_loop3A_372 = arith.sitofp %parallel_loop3A_371 : vector<16xi32> to vector<16xf32>
      %parallel_loop3A_373 = arith.constant 12 : i32
      %parallel_loop3A_374 = vector.broadcast %parallel_loop3A_373 : i32 to vector<16xi32>
      tpu.vector_store_idx %arg19[%parallel_loop3A_306, %parallel_loop3A_374], %parallel_loop3A_372 : memref<512x13xf32, #tpu.memory_space<vmem>>[vector<16xi32>, vector<16xi32>], vector<16xf32>,
    } {sc.loop_unroll_factor = 8 : i64, sc.parallel_access}
    %add3A_90 = arith.constant 128 : i32
    %add3A_91 = arith.addi %mul3A_2, %add3A_90 : i32
    %dma_start3A_92 = arith.constant 128 : i32
    %dma_start3A_93 = arith.constant 0 : i32
    %dma_start3A_94 = tpu.memref_slice %arg19[%dma_start3A_92, %dma_start3A_93] : memref<512x13xf32, #tpu.memory_space<vmem>> -> memref<128x13xf32, #tpu.memory_space<vmem>>
    %dma_start3A_95 = arith.constant 8 : i32
    %dma_start3A_96 = tpu.memref_slice %arg10[%add3A_91, %dma_start3A_95] : memref<16384x21xf32, #tpu.memory_space<hbm>> -> memref<128x13xf32, #tpu.memory_space<hbm>>
    %dma_start3A_97 = arith.constant 8 : i32
    %dma_start3A_98 = tpu.memref_slice %arg10[%add3A_91, %dma_start3A_97] : memref<16384x21xf32, #tpu.memory_space<hbm>> -> memref<128x13xf32, #tpu.memory_space<hbm>>
    %dma_start3A_99 = arith.constant 128 : i32
    %dma_start3A_100 = arith.constant 0 : i32
    %dma_start3A_101 = tpu.memref_slice %arg19[%dma_start3A_99, %dma_start3A_100] : memref<512x13xf32, #tpu.memory_space<vmem>> -> memref<128x13xf32, #tpu.memory_space<vmem>>
    tpu.enqueue_dma source(%dma_start3A_101 : memref<128x13xf32, #tpu.memory_space<vmem>>) target(%dma_start3A_98 : memref<128x13xf32, #tpu.memory_space<hbm>>) target_semaphore(%arg26 : memref<!tpu.dma_semaphore, #tpu.memory_space<semaphore_mem>>)
    %parallel_loop3A_102 = arith.constant 16 : i32
    %parallel_loop3A_103 = arith.constant 24 : i32
    %parallel_loop3A_104 = arith.constant 1 : i32
    scf.for %parallel_loop3A_300 = %parallel_loop3A_102 to %parallel_loop3A_103 step %parallel_loop3A_104  : i32 {
      %parallel_loop3A_301 = arith.constant 16 : i32
      %parallel_loop3A_302 = arith.muli %parallel_loop3A_300, %parallel_loop3A_301 : i32
      %parallel_loop3A_303 = tpu.assume_multiple %parallel_loop3A_302, 16 : i32
      %parallel_loop3A_304 = tpu.iota {dimensions = array<i32: 0>} : vector<16xi32>
      %parallel_loop3A_305 = vector.broadcast %parallel_loop3A_303 : i32 to vector<16xi32>
      %parallel_loop3A_306 = arith.addi %parallel_loop3A_305, %parallel_loop3A_304 : vector<16xi32>
      %parallel_loop3A_307 = arith.index_cast %parallel_loop3A_303 : i32 to index
      %parallel_loop3A_308 = tpu.vector_load %arg15[%parallel_loop3A_307] {strides = array<i32>} : memref<512xi32, #tpu.memory_space<vmem>>, vector<16xi32>,
      %parallel_loop3A_309 = arith.constant 0 : i32
      %parallel_loop3A_310 = vector.broadcast %parallel_loop3A_309 : i32 to vector<16xi32>
      %parallel_loop3A_311 = tpu.vector_load_idx %arg13[%parallel_loop3A_308, %parallel_loop3A_310] : memref<7x5xf32, #tpu.memory_space<vmem>>[vector<16xi32>, vector<16xi32>], vector<16xf32>,
      %parallel_loop3A_312 = arith.constant 0 : i32
      %parallel_loop3A_313 = vector.broadcast %parallel_loop3A_312 : i32 to vector<16xi32>
      tpu.vector_store_idx %arg19[%parallel_loop3A_306, %parallel_loop3A_313], %parallel_loop3A_311 : memref<512x13xf32, #tpu.memory_space<vmem>>[vector<16xi32>, vector<16xi32>], vector<16xf32>,
      %parallel_loop3A_314 = arith.constant 1 : i32
      %parallel_loop3A_315 = vector.broadcast %parallel_loop3A_314 : i32 to vector<16xi32>
      %parallel_loop3A_316 = tpu.vector_load_idx %arg13[%parallel_loop3A_308, %parallel_loop3A_315] : memref<7x5xf32, #tpu.memory_space<vmem>>[vector<16xi32>, vector<16xi32>], vector<16xf32>,
      %parallel_loop3A_317 = arith.constant 1 : i32
      %parallel_loop3A_318 = vector.broadcast %parallel_loop3A_317 : i32 to vector<16xi32>
      tpu.vector_store_idx %arg19[%parallel_loop3A_306, %parallel_loop3A_318], %parallel_loop3A_316 : memref<512x13xf32, #tpu.memory_space<vmem>>[vector<16xi32>, vector<16xi32>], vector<16xf32>,
      %parallel_loop3A_319 = arith.constant 2 : i32
      %parallel_loop3A_320 = vector.broadcast %parallel_loop3A_319 : i32 to vector<16xi32>
      %parallel_loop3A_321 = tpu.vector_load_idx %arg13[%parallel_loop3A_308, %parallel_loop3A_320] : memref<7x5xf32, #tpu.memory_space<vmem>>[vector<16xi32>, vector<16xi32>], vector<16xf32>,
      %parallel_loop3A_322 = arith.constant 2 : i32
      %parallel_loop3A_323 = vector.broadcast %parallel_loop3A_322 : i32 to vector<16xi32>
      tpu.vector_store_idx %arg19[%parallel_loop3A_306, %parallel_loop3A_323], %parallel_loop3A_321 : memref<512x13xf32, #tpu.memory_space<vmem>>[vector<16xi32>, vector<16xi32>], vector<16xf32>,
      %parallel_loop3A_324 = arith.index_cast %parallel_loop3A_303 : i32 to index
      %parallel_loop3A_325 = tpu.vector_load %arg16[%parallel_loop3A_324] {strides = array<i32>} : memref<512xi32, #tpu.memory_space<vmem>>, vector<16xi32>,
      %parallel_loop3A_326 = arith.constant 0 : i32
      %parallel_loop3A_327 = vector.broadcast %parallel_loop3A_326 : i32 to vector<16xi32>
      %parallel_loop3A_328 = tpu.vector_load_idx %arg14[%parallel_loop3A_325, %parallel_loop3A_327] : memref<96x17xf32, #tpu.memory_space<vmem>>[vector<16xi32>, vector<16xi32>], vector<16xf32>,
      %parallel_loop3A_329 = arith.constant 3 : i32
      %parallel_loop3A_330 = vector.broadcast %parallel_loop3A_329 : i32 to vector<16xi32>
      tpu.vector_store_idx %arg19[%parallel_loop3A_306, %parallel_loop3A_330], %parallel_loop3A_328 : memref<512x13xf32, #tpu.memory_space<vmem>>[vector<16xi32>, vector<16xi32>], vector<16xf32>,
      %parallel_loop3A_331 = arith.constant 1 : i32
      %parallel_loop3A_332 = vector.broadcast %parallel_loop3A_331 : i32 to vector<16xi32>
      %parallel_loop3A_333 = tpu.vector_load_idx %arg14[%parallel_loop3A_325, %parallel_loop3A_332] : memref<96x17xf32, #tpu.memory_space<vmem>>[vector<16xi32>, vector<16xi32>], vector<16xf32>,
      %parallel_loop3A_334 = arith.constant 4 : i32
      %parallel_loop3A_335 = vector.broadcast %parallel_loop3A_334 : i32 to vector<16xi32>
      tpu.vector_store_idx %arg19[%parallel_loop3A_306, %parallel_loop3A_335], %parallel_loop3A_333 : memref<512x13xf32, #tpu.memory_space<vmem>>[vector<16xi32>, vector<16xi32>], vector<16xf32>,
      %parallel_loop3A_336 = arith.constant 2 : i32
      %parallel_loop3A_337 = vector.broadcast %parallel_loop3A_336 : i32 to vector<16xi32>
      %parallel_loop3A_338 = tpu.vector_load_idx %arg14[%parallel_loop3A_325, %parallel_loop3A_337] : memref<96x17xf32, #tpu.memory_space<vmem>>[vector<16xi32>, vector<16xi32>], vector<16xf32>,
      %parallel_loop3A_339 = arith.constant 5 : i32
      %parallel_loop3A_340 = vector.broadcast %parallel_loop3A_339 : i32 to vector<16xi32>
      tpu.vector_store_idx %arg19[%parallel_loop3A_306, %parallel_loop3A_340], %parallel_loop3A_338 : memref<512x13xf32, #tpu.memory_space<vmem>>[vector<16xi32>, vector<16xi32>], vector<16xf32>,
      %parallel_loop3A_341 = arith.constant 3 : i32
      %parallel_loop3A_342 = vector.broadcast %parallel_loop3A_341 : i32 to vector<16xi32>
      %parallel_loop3A_343 = tpu.vector_load_idx %arg14[%parallel_loop3A_325, %parallel_loop3A_342] : memref<96x17xf32, #tpu.memory_space<vmem>>[vector<16xi32>, vector<16xi32>], vector<16xf32>,
      %parallel_loop3A_344 = arith.constant 6 : i32
      %parallel_loop3A_345 = vector.broadcast %parallel_loop3A_344 : i32 to vector<16xi32>
      tpu.vector_store_idx %arg19[%parallel_loop3A_306, %parallel_loop3A_345], %parallel_loop3A_343 : memref<512x13xf32, #tpu.memory_space<vmem>>[vector<16xi32>, vector<16xi32>], vector<16xf32>,
      %parallel_loop3A_346 = arith.constant 4 : i32
      %parallel_loop3A_347 = vector.broadcast %parallel_loop3A_346 : i32 to vector<16xi32>
      %parallel_loop3A_348 = tpu.vector_load_idx %arg14[%parallel_loop3A_325, %parallel_loop3A_347] : memref<96x17xf32, #tpu.memory_space<vmem>>[vector<16xi32>, vector<16xi32>], vector<16xf32>,
      %parallel_loop3A_349 = arith.constant 7 : i32
      %parallel_loop3A_350 = vector.broadcast %parallel_loop3A_349 : i32 to vector<16xi32>
      tpu.vector_store_idx %arg19[%parallel_loop3A_306, %parallel_loop3A_350], %parallel_loop3A_348 : memref<512x13xf32, #tpu.memory_space<vmem>>[vector<16xi32>, vector<16xi32>], vector<16xf32>,
      %parallel_loop3A_351 = arith.constant 5 : i32
      %parallel_loop3A_352 = vector.broadcast %parallel_loop3A_351 : i32 to vector<16xi32>
      %parallel_loop3A_353 = tpu.vector_load_idx %arg14[%parallel_loop3A_325, %parallel_loop3A_352] : memref<96x17xf32, #tpu.memory_space<vmem>>[vector<16xi32>, vector<16xi32>], vector<16xf32>,
      %parallel_loop3A_354 = arith.constant 8 : i32
      %parallel_loop3A_355 = vector.broadcast %parallel_loop3A_354 : i32 to vector<16xi32>
      tpu.vector_store_idx %arg19[%parallel_loop3A_306, %parallel_loop3A_355], %parallel_loop3A_353 : memref<512x13xf32, #tpu.memory_space<vmem>>[vector<16xi32>, vector<16xi32>], vector<16xf32>,
      %parallel_loop3A_356 = arith.constant 6 : i32
      %parallel_loop3A_357 = vector.broadcast %parallel_loop3A_356 : i32 to vector<16xi32>
      %parallel_loop3A_358 = tpu.vector_load_idx %arg14[%parallel_loop3A_325, %parallel_loop3A_357] : memref<96x17xf32, #tpu.memory_space<vmem>>[vector<16xi32>, vector<16xi32>], vector<16xf32>,
      %parallel_loop3A_359 = arith.constant 9 : i32
      %parallel_loop3A_360 = vector.broadcast %parallel_loop3A_359 : i32 to vector<16xi32>
      tpu.vector_store_idx %arg19[%parallel_loop3A_306, %parallel_loop3A_360], %parallel_loop3A_358 : memref<512x13xf32, #tpu.memory_space<vmem>>[vector<16xi32>, vector<16xi32>], vector<16xf32>,
      %parallel_loop3A_361 = arith.constant 7 : i32
      %parallel_loop3A_362 = vector.broadcast %parallel_loop3A_361 : i32 to vector<16xi32>
      %parallel_loop3A_363 = tpu.vector_load_idx %arg14[%parallel_loop3A_325, %parallel_loop3A_362] : memref<96x17xf32, #tpu.memory_space<vmem>>[vector<16xi32>, vector<16xi32>], vector<16xf32>,
      %parallel_loop3A_364 = arith.constant 10 : i32
      %parallel_loop3A_365 = vector.broadcast %parallel_loop3A_364 : i32 to vector<16xi32>
      tpu.vector_store_idx %arg19[%parallel_loop3A_306, %parallel_loop3A_365], %parallel_loop3A_363 : memref<512x13xf32, #tpu.memory_space<vmem>>[vector<16xi32>, vector<16xi32>], vector<16xf32>,
      %parallel_loop3A_366 = arith.index_cast %parallel_loop3A_303 : i32 to index
      %parallel_loop3A_367 = tpu.vector_load %arg18[%parallel_loop3A_366] {strides = array<i32>} : memref<512xf32, #tpu.memory_space<vmem>>, vector<16xf32>,
      %parallel_loop3A_368 = arith.constant 11 : i32
      %parallel_loop3A_369 = vector.broadcast %parallel_loop3A_368 : i32 to vector<16xi32>
      tpu.vector_store_idx %arg19[%parallel_loop3A_306, %parallel_loop3A_369], %parallel_loop3A_367 : memref<512x13xf32, #tpu.memory_space<vmem>>[vector<16xi32>, vector<16xi32>], vector<16xf32>,
      %parallel_loop3A_370 = arith.index_cast %parallel_loop3A_303 : i32 to index
      %parallel_loop3A_371 = tpu.vector_load %arg17[%parallel_loop3A_370] {strides = array<i32>} : memref<512xi32, #tpu.memory_space<vmem>>, vector<16xi32>,
      %parallel_loop3A_372 = arith.sitofp %parallel_loop3A_371 : vector<16xi32> to vector<16xf32>
      %parallel_loop3A_373 = arith.constant 12 : i32
      %parallel_loop3A_374 = vector.broadcast %parallel_loop3A_373 : i32 to vector<16xi32>
      tpu.vector_store_idx %arg19[%parallel_loop3A_306, %parallel_loop3A_374], %parallel_loop3A_372 : memref<512x13xf32, #tpu.memory_space<vmem>>[vector<16xi32>, vector<16xi32>], vector<16xf32>,
    } {sc.loop_unroll_factor = 8 : i64, sc.parallel_access}
    %add3A_105 = arith.constant 256 : i32
    %add3A_106 = arith.addi %mul3A_2, %add3A_105 : i32
    %dma_start3A_107 = arith.constant 256 : i32
    %dma_start3A_108 = arith.constant 0 : i32
    %dma_start3A_109 = tpu.memref_slice %arg19[%dma_start3A_107, %dma_start3A_108] : memref<512x13xf32, #tpu.memory_space<vmem>> -> memref<128x13xf32, #tpu.memory_space<vmem>>
    %dma_start3A_110 = arith.constant 8 : i32
    %dma_start3A_111 = tpu.memref_slice %arg10[%add3A_106, %dma_start3A_110] : memref<16384x21xf32, #tpu.memory_space<hbm>> -> memref<128x13xf32, #tpu.memory_space<hbm>>
    %dma_start3A_112 = arith.constant 8 : i32
    %dma_start3A_113 = tpu.memref_slice %arg10[%add3A_106, %dma_start3A_112] : memref<16384x21xf32, #tpu.memory_space<hbm>> -> memref<128x13xf32, #tpu.memory_space<hbm>>
    %dma_start3A_114 = arith.constant 256 : i32
    %dma_start3A_115 = arith.constant 0 : i32
    %dma_start3A_116 = tpu.memref_slice %arg19[%dma_start3A_114, %dma_start3A_115] : memref<512x13xf32, #tpu.memory_space<vmem>> -> memref<128x13xf32, #tpu.memory_space<vmem>>
    tpu.enqueue_dma source(%dma_start3A_116 : memref<128x13xf32, #tpu.memory_space<vmem>>) target(%dma_start3A_113 : memref<128x13xf32, #tpu.memory_space<hbm>>) target_semaphore(%arg26 : memref<!tpu.dma_semaphore, #tpu.memory_space<semaphore_mem>>)
    %parallel_loop3A_117 = arith.constant 24 : i32
    %parallel_loop3A_118 = arith.constant 32 : i32
    %parallel_loop3A_119 = arith.constant 1 : i32
    scf.for %parallel_loop3A_300 = %parallel_loop3A_117 to %parallel_loop3A_118 step %parallel_loop3A_119  : i32 {
      %parallel_loop3A_301 = arith.constant 16 : i32
      %parallel_loop3A_302 = arith.muli %parallel_loop3A_300, %parallel_loop3A_301 : i32
      %parallel_loop3A_303 = tpu.assume_multiple %parallel_loop3A_302, 16 : i32
      %parallel_loop3A_304 = tpu.iota {dimensions = array<i32: 0>} : vector<16xi32>
      %parallel_loop3A_305 = vector.broadcast %parallel_loop3A_303 : i32 to vector<16xi32>
      %parallel_loop3A_306 = arith.addi %parallel_loop3A_305, %parallel_loop3A_304 : vector<16xi32>
      %parallel_loop3A_307 = arith.index_cast %parallel_loop3A_303 : i32 to index
      %parallel_loop3A_308 = tpu.vector_load %arg15[%parallel_loop3A_307] {strides = array<i32>} : memref<512xi32, #tpu.memory_space<vmem>>, vector<16xi32>,
      %parallel_loop3A_309 = arith.constant 0 : i32
      %parallel_loop3A_310 = vector.broadcast %parallel_loop3A_309 : i32 to vector<16xi32>
      %parallel_loop3A_311 = tpu.vector_load_idx %arg13[%parallel_loop3A_308, %parallel_loop3A_310] : memref<7x5xf32, #tpu.memory_space<vmem>>[vector<16xi32>, vector<16xi32>], vector<16xf32>,
      %parallel_loop3A_312 = arith.constant 0 : i32
      %parallel_loop3A_313 = vector.broadcast %parallel_loop3A_312 : i32 to vector<16xi32>
      tpu.vector_store_idx %arg19[%parallel_loop3A_306, %parallel_loop3A_313], %parallel_loop3A_311 : memref<512x13xf32, #tpu.memory_space<vmem>>[vector<16xi32>, vector<16xi32>], vector<16xf32>,
      %parallel_loop3A_314 = arith.constant 1 : i32
      %parallel_loop3A_315 = vector.broadcast %parallel_loop3A_314 : i32 to vector<16xi32>
      %parallel_loop3A_316 = tpu.vector_load_idx %arg13[%parallel_loop3A_308, %parallel_loop3A_315] : memref<7x5xf32, #tpu.memory_space<vmem>>[vector<16xi32>, vector<16xi32>], vector<16xf32>,
      %parallel_loop3A_317 = arith.constant 1 : i32
      %parallel_loop3A_318 = vector.broadcast %parallel_loop3A_317 : i32 to vector<16xi32>
      tpu.vector_store_idx %arg19[%parallel_loop3A_306, %parallel_loop3A_318], %parallel_loop3A_316 : memref<512x13xf32, #tpu.memory_space<vmem>>[vector<16xi32>, vector<16xi32>], vector<16xf32>,
      %parallel_loop3A_319 = arith.constant 2 : i32
      %parallel_loop3A_320 = vector.broadcast %parallel_loop3A_319 : i32 to vector<16xi32>
      %parallel_loop3A_321 = tpu.vector_load_idx %arg13[%parallel_loop3A_308, %parallel_loop3A_320] : memref<7x5xf32, #tpu.memory_space<vmem>>[vector<16xi32>, vector<16xi32>], vector<16xf32>,
      %parallel_loop3A_322 = arith.constant 2 : i32
      %parallel_loop3A_323 = vector.broadcast %parallel_loop3A_322 : i32 to vector<16xi32>
      tpu.vector_store_idx %arg19[%parallel_loop3A_306, %parallel_loop3A_323], %parallel_loop3A_321 : memref<512x13xf32, #tpu.memory_space<vmem>>[vector<16xi32>, vector<16xi32>], vector<16xf32>,
      %parallel_loop3A_324 = arith.index_cast %parallel_loop3A_303 : i32 to index
      %parallel_loop3A_325 = tpu.vector_load %arg16[%parallel_loop3A_324] {strides = array<i32>} : memref<512xi32, #tpu.memory_space<vmem>>, vector<16xi32>,
      %parallel_loop3A_326 = arith.constant 0 : i32
      %parallel_loop3A_327 = vector.broadcast %parallel_loop3A_326 : i32 to vector<16xi32>
      %parallel_loop3A_328 = tpu.vector_load_idx %arg14[%parallel_loop3A_325, %parallel_loop3A_327] : memref<96x17xf32, #tpu.memory_space<vmem>>[vector<16xi32>, vector<16xi32>], vector<16xf32>,
      %parallel_loop3A_329 = arith.constant 3 : i32
      %parallel_loop3A_330 = vector.broadcast %parallel_loop3A_329 : i32 to vector<16xi32>
      tpu.vector_store_idx %arg19[%parallel_loop3A_306, %parallel_loop3A_330], %parallel_loop3A_328 : memref<512x13xf32, #tpu.memory_space<vmem>>[vector<16xi32>, vector<16xi32>], vector<16xf32>,
      %parallel_loop3A_331 = arith.constant 1 : i32
      %parallel_loop3A_332 = vector.broadcast %parallel_loop3A_331 : i32 to vector<16xi32>
      %parallel_loop3A_333 = tpu.vector_load_idx %arg14[%parallel_loop3A_325, %parallel_loop3A_332] : memref<96x17xf32, #tpu.memory_space<vmem>>[vector<16xi32>, vector<16xi32>], vector<16xf32>,
      %parallel_loop3A_334 = arith.constant 4 : i32
      %parallel_loop3A_335 = vector.broadcast %parallel_loop3A_334 : i32 to vector<16xi32>
      tpu.vector_store_idx %arg19[%parallel_loop3A_306, %parallel_loop3A_335], %parallel_loop3A_333 : memref<512x13xf32, #tpu.memory_space<vmem>>[vector<16xi32>, vector<16xi32>], vector<16xf32>,
      %parallel_loop3A_336 = arith.constant 2 : i32
      %parallel_loop3A_337 = vector.broadcast %parallel_loop3A_336 : i32 to vector<16xi32>
      %parallel_loop3A_338 = tpu.vector_load_idx %arg14[%parallel_loop3A_325, %parallel_loop3A_337] : memref<96x17xf32, #tpu.memory_space<vmem>>[vector<16xi32>, vector<16xi32>], vector<16xf32>,
      %parallel_loop3A_339 = arith.constant 5 : i32
      %parallel_loop3A_340 = vector.broadcast %parallel_loop3A_339 : i32 to vector<16xi32>
      tpu.vector_store_idx %arg19[%parallel_loop3A_306, %parallel_loop3A_340], %parallel_loop3A_338 : memref<512x13xf32, #tpu.memory_space<vmem>>[vector<16xi32>, vector<16xi32>], vector<16xf32>,
      %parallel_loop3A_341 = arith.constant 3 : i32
      %parallel_loop3A_342 = vector.broadcast %parallel_loop3A_341 : i32 to vector<16xi32>
      %parallel_loop3A_343 = tpu.vector_load_idx %arg14[%parallel_loop3A_325, %parallel_loop3A_342] : memref<96x17xf32, #tpu.memory_space<vmem>>[vector<16xi32>, vector<16xi32>], vector<16xf32>,
      %parallel_loop3A_344 = arith.constant 6 : i32
      %parallel_loop3A_345 = vector.broadcast %parallel_loop3A_344 : i32 to vector<16xi32>
      tpu.vector_store_idx %arg19[%parallel_loop3A_306, %parallel_loop3A_345], %parallel_loop3A_343 : memref<512x13xf32, #tpu.memory_space<vmem>>[vector<16xi32>, vector<16xi32>], vector<16xf32>,
      %parallel_loop3A_346 = arith.constant 4 : i32
      %parallel_loop3A_347 = vector.broadcast %parallel_loop3A_346 : i32 to vector<16xi32>
      %parallel_loop3A_348 = tpu.vector_load_idx %arg14[%parallel_loop3A_325, %parallel_loop3A_347] : memref<96x17xf32, #tpu.memory_space<vmem>>[vector<16xi32>, vector<16xi32>], vector<16xf32>,
      %parallel_loop3A_349 = arith.constant 7 : i32
      %parallel_loop3A_350 = vector.broadcast %parallel_loop3A_349 : i32 to vector<16xi32>
      tpu.vector_store_idx %arg19[%parallel_loop3A_306, %parallel_loop3A_350], %parallel_loop3A_348 : memref<512x13xf32, #tpu.memory_space<vmem>>[vector<16xi32>, vector<16xi32>], vector<16xf32>,
      %parallel_loop3A_351 = arith.constant 5 : i32
      %parallel_loop3A_352 = vector.broadcast %parallel_loop3A_351 : i32 to vector<16xi32>
      %parallel_loop3A_353 = tpu.vector_load_idx %arg14[%parallel_loop3A_325, %parallel_loop3A_352] : memref<96x17xf32, #tpu.memory_space<vmem>>[vector<16xi32>, vector<16xi32>], vector<16xf32>,
      %parallel_loop3A_354 = arith.constant 8 : i32
      %parallel_loop3A_355 = vector.broadcast %parallel_loop3A_354 : i32 to vector<16xi32>
      tpu.vector_store_idx %arg19[%parallel_loop3A_306, %parallel_loop3A_355], %parallel_loop3A_353 : memref<512x13xf32, #tpu.memory_space<vmem>>[vector<16xi32>, vector<16xi32>], vector<16xf32>,
      %parallel_loop3A_356 = arith.constant 6 : i32
      %parallel_loop3A_357 = vector.broadcast %parallel_loop3A_356 : i32 to vector<16xi32>
      %parallel_loop3A_358 = tpu.vector_load_idx %arg14[%parallel_loop3A_325, %parallel_loop3A_357] : memref<96x17xf32, #tpu.memory_space<vmem>>[vector<16xi32>, vector<16xi32>], vector<16xf32>,
      %parallel_loop3A_359 = arith.constant 9 : i32
      %parallel_loop3A_360 = vector.broadcast %parallel_loop3A_359 : i32 to vector<16xi32>
      tpu.vector_store_idx %arg19[%parallel_loop3A_306, %parallel_loop3A_360], %parallel_loop3A_358 : memref<512x13xf32, #tpu.memory_space<vmem>>[vector<16xi32>, vector<16xi32>], vector<16xf32>,
      %parallel_loop3A_361 = arith.constant 7 : i32
      %parallel_loop3A_362 = vector.broadcast %parallel_loop3A_361 : i32 to vector<16xi32>
      %parallel_loop3A_363 = tpu.vector_load_idx %arg14[%parallel_loop3A_325, %parallel_loop3A_362] : memref<96x17xf32, #tpu.memory_space<vmem>>[vector<16xi32>, vector<16xi32>], vector<16xf32>,
      %parallel_loop3A_364 = arith.constant 10 : i32
      %parallel_loop3A_365 = vector.broadcast %parallel_loop3A_364 : i32 to vector<16xi32>
      tpu.vector_store_idx %arg19[%parallel_loop3A_306, %parallel_loop3A_365], %parallel_loop3A_363 : memref<512x13xf32, #tpu.memory_space<vmem>>[vector<16xi32>, vector<16xi32>], vector<16xf32>,
      %parallel_loop3A_366 = arith.index_cast %parallel_loop3A_303 : i32 to index
      %parallel_loop3A_367 = tpu.vector_load %arg18[%parallel_loop3A_366] {strides = array<i32>} : memref<512xf32, #tpu.memory_space<vmem>>, vector<16xf32>,
      %parallel_loop3A_368 = arith.constant 11 : i32
      %parallel_loop3A_369 = vector.broadcast %parallel_loop3A_368 : i32 to vector<16xi32>
      tpu.vector_store_idx %arg19[%parallel_loop3A_306, %parallel_loop3A_369], %parallel_loop3A_367 : memref<512x13xf32, #tpu.memory_space<vmem>>[vector<16xi32>, vector<16xi32>], vector<16xf32>,
      %parallel_loop3A_370 = arith.index_cast %parallel_loop3A_303 : i32 to index
      %parallel_loop3A_371 = tpu.vector_load %arg17[%parallel_loop3A_370] {strides = array<i32>} : memref<512xi32, #tpu.memory_space<vmem>>, vector<16xi32>,
      %parallel_loop3A_372 = arith.sitofp %parallel_loop3A_371 : vector<16xi32> to vector<16xf32>
      %parallel_loop3A_373 = arith.constant 12 : i32
      %parallel_loop3A_374 = vector.broadcast %parallel_loop3A_373 : i32 to vector<16xi32>
      tpu.vector_store_idx %arg19[%parallel_loop3A_306, %parallel_loop3A_374], %parallel_loop3A_372 : memref<512x13xf32, #tpu.memory_space<vmem>>[vector<16xi32>, vector<16xi32>], vector<16xf32>,
    } {sc.loop_unroll_factor = 8 : i64, sc.parallel_access}
    %add3A_120 = arith.constant 384 : i32
    %add3A_121 = arith.addi %mul3A_2, %add3A_120 : i32
    %dma_start3A_122 = arith.constant 384 : i32
    %dma_start3A_123 = arith.constant 0 : i32
    %dma_start3A_124 = tpu.memref_slice %arg19[%dma_start3A_122, %dma_start3A_123] : memref<512x13xf32, #tpu.memory_space<vmem>> -> memref<128x13xf32, #tpu.memory_space<vmem>>
    %dma_start3A_125 = arith.constant 8 : i32
    %dma_start3A_126 = tpu.memref_slice %arg10[%add3A_121, %dma_start3A_125] : memref<16384x21xf32, #tpu.memory_space<hbm>> -> memref<128x13xf32, #tpu.memory_space<hbm>>
    %dma_start3A_127 = arith.constant 8 : i32
    %dma_start3A_128 = tpu.memref_slice %arg10[%add3A_121, %dma_start3A_127] : memref<16384x21xf32, #tpu.memory_space<hbm>> -> memref<128x13xf32, #tpu.memory_space<hbm>>
    %dma_start3A_129 = arith.constant 384 : i32
    %dma_start3A_130 = arith.constant 0 : i32
    %dma_start3A_131 = tpu.memref_slice %arg19[%dma_start3A_129, %dma_start3A_130] : memref<512x13xf32, #tpu.memory_space<vmem>> -> memref<128x13xf32, #tpu.memory_space<vmem>>
    tpu.enqueue_dma source(%dma_start3A_131 : memref<128x13xf32, #tpu.memory_space<vmem>>) target(%dma_start3A_128 : memref<128x13xf32, #tpu.memory_space<hbm>>) target_semaphore(%arg26 : memref<!tpu.dma_semaphore, #tpu.memory_space<semaphore_mem>>)
    %dma_wait3A_132 = arith.constant 0 : i32
    %dma_wait3A_133 = arith.constant 0 : i32
    %dma_wait3A_134 = arith.constant 0 : i32
    %dma_wait3A_135 = tpu.memref_slice %arg12[%dma_wait3A_133, %dma_wait3A_134] : memref<512x8xf32, #tpu.memory_space<vmem>> -> memref<128x8xf32, #tpu.memory_space<vmem>>
    %dma_wait3A_136 = arith.constant 0 : i32
    %dma_wait3A_137 = tpu.memref_slice %arg11[%dma_wait3A_132, %dma_wait3A_136] : memref<4x128xi32, #tpu.memory_space<vmem>> -> memref<1x128xi32, #tpu.memory_space<vmem>>
    %dma_wait3A_138 = tpu.memref_squeeze %dma_wait3A_137 : memref<1x128xi32, #tpu.memory_space<vmem>> -> memref<128xi32, #tpu.memory_space<vmem>>
    %dma_wait3A_139 = arith.constant 0 : i32
    %dma_wait3A_140 = arith.constant 0 : i32
    %dma_wait3A_141 = tpu.memref_slice %arg7[%dma_wait3A_139, %dma_wait3A_140] : memref<13000x8xf32, #tpu.memory_space<hbm>> -> memref<13000x8xf32, #tpu.memory_space<hbm>>
    tpu.wait_indirect_dma semaphore(%arg22 : memref<!tpu.dma_semaphore, #tpu.memory_space<semaphore_mem>>) src(%dma_wait3A_141 : memref<13000x8xf32, #tpu.memory_space<hbm>>) dst(%dma_wait3A_135 : memref<128x8xf32, #tpu.memory_space<vmem>>)
    %add3A_142 = arith.constant 0 : i32
    %add3A_143 = arith.addi %mul3A_2, %add3A_142 : i32
    %dma_start3A_144 = arith.constant 0 : i32
    %dma_start3A_145 = arith.constant 0 : i32
    %dma_start3A_146 = tpu.memref_slice %arg12[%dma_start3A_144, %dma_start3A_145] : memref<512x8xf32, #tpu.memory_space<vmem>> -> memref<128x8xf32, #tpu.memory_space<vmem>>
    %dma_start3A_147 = arith.constant 0 : i32
    %dma_start3A_148 = tpu.memref_slice %arg10[%add3A_143, %dma_start3A_147] : memref<16384x21xf32, #tpu.memory_space<hbm>> -> memref<128x8xf32, #tpu.memory_space<hbm>>
    %dma_start3A_149 = arith.constant 0 : i32
    %dma_start3A_150 = tpu.memref_slice %arg10[%add3A_143, %dma_start3A_149] : memref<16384x21xf32, #tpu.memory_space<hbm>> -> memref<128x8xf32, #tpu.memory_space<hbm>>
    %dma_start3A_151 = arith.constant 0 : i32
    %dma_start3A_152 = arith.constant 0 : i32
    %dma_start3A_153 = tpu.memref_slice %arg12[%dma_start3A_151, %dma_start3A_152] : memref<512x8xf32, #tpu.memory_space<vmem>> -> memref<128x8xf32, #tpu.memory_space<vmem>>
    tpu.enqueue_dma source(%dma_start3A_153 : memref<128x8xf32, #tpu.memory_space<vmem>>) target(%dma_start3A_150 : memref<128x8xf32, #tpu.memory_space<hbm>>) target_semaphore(%arg26 : memref<!tpu.dma_semaphore, #tpu.memory_space<semaphore_mem>>)
    %dma_wait3A_154 = arith.constant 1 : i32
    %dma_wait3A_155 = arith.constant 128 : i32
    %dma_wait3A_156 = arith.constant 0 : i32
    %dma_wait3A_157 = tpu.memref_slice %arg12[%dma_wait3A_155, %dma_wait3A_156] : memref<512x8xf32, #tpu.memory_space<vmem>> -> memref<128x8xf32, #tpu.memory_space<vmem>>
    %dma_wait3A_158 = arith.constant 0 : i32
    %dma_wait3A_159 = tpu.memref_slice %arg11[%dma_wait3A_154, %dma_wait3A_158] : memref<4x128xi32, #tpu.memory_space<vmem>> -> memref<1x128xi32, #tpu.memory_space<vmem>>
    %dma_wait3A_160 = tpu.memref_squeeze %dma_wait3A_159 : memref<1x128xi32, #tpu.memory_space<vmem>> -> memref<128xi32, #tpu.memory_space<vmem>>
    %dma_wait3A_161 = arith.constant 0 : i32
    %dma_wait3A_162 = arith.constant 0 : i32
    %dma_wait3A_163 = tpu.memref_slice %arg7[%dma_wait3A_161, %dma_wait3A_162] : memref<13000x8xf32, #tpu.memory_space<hbm>> -> memref<13000x8xf32, #tpu.memory_space<hbm>>
    tpu.wait_indirect_dma semaphore(%arg23 : memref<!tpu.dma_semaphore, #tpu.memory_space<semaphore_mem>>) src(%dma_wait3A_163 : memref<13000x8xf32, #tpu.memory_space<hbm>>) dst(%dma_wait3A_157 : memref<128x8xf32, #tpu.memory_space<vmem>>)
    %add3A_164 = arith.constant 128 : i32
    %add3A_165 = arith.addi %mul3A_2, %add3A_164 : i32
    %dma_start3A_166 = arith.constant 128 : i32
    %dma_start3A_167 = arith.constant 0 : i32
    %dma_start3A_168 = tpu.memref_slice %arg12[%dma_start3A_166, %dma_start3A_167] : memref<512x8xf32, #tpu.memory_space<vmem>> -> memref<128x8xf32, #tpu.memory_space<vmem>>
    %dma_start3A_169 = arith.constant 0 : i32
    %dma_start3A_170 = tpu.memref_slice %arg10[%add3A_165, %dma_start3A_169] : memref<16384x21xf32, #tpu.memory_space<hbm>> -> memref<128x8xf32, #tpu.memory_space<hbm>>
    %dma_start3A_171 = arith.constant 0 : i32
    %dma_start3A_172 = tpu.memref_slice %arg10[%add3A_165, %dma_start3A_171] : memref<16384x21xf32, #tpu.memory_space<hbm>> -> memref<128x8xf32, #tpu.memory_space<hbm>>
    %dma_start3A_173 = arith.constant 128 : i32
    %dma_start3A_174 = arith.constant 0 : i32
    %dma_start3A_175 = tpu.memref_slice %arg12[%dma_start3A_173, %dma_start3A_174] : memref<512x8xf32, #tpu.memory_space<vmem>> -> memref<128x8xf32, #tpu.memory_space<vmem>>
    tpu.enqueue_dma source(%dma_start3A_175 : memref<128x8xf32, #tpu.memory_space<vmem>>) target(%dma_start3A_172 : memref<128x8xf32, #tpu.memory_space<hbm>>) target_semaphore(%arg26 : memref<!tpu.dma_semaphore, #tpu.memory_space<semaphore_mem>>)
    %dma_wait3A_176 = arith.constant 2 : i32
    %dma_wait3A_177 = arith.constant 256 : i32
    %dma_wait3A_178 = arith.constant 0 : i32
    %dma_wait3A_179 = tpu.memref_slice %arg12[%dma_wait3A_177, %dma_wait3A_178] : memref<512x8xf32, #tpu.memory_space<vmem>> -> memref<128x8xf32, #tpu.memory_space<vmem>>
    %dma_wait3A_180 = arith.constant 0 : i32
    %dma_wait3A_181 = tpu.memref_slice %arg11[%dma_wait3A_176, %dma_wait3A_180] : memref<4x128xi32, #tpu.memory_space<vmem>> -> memref<1x128xi32, #tpu.memory_space<vmem>>
    %dma_wait3A_182 = tpu.memref_squeeze %dma_wait3A_181 : memref<1x128xi32, #tpu.memory_space<vmem>> -> memref<128xi32, #tpu.memory_space<vmem>>
    %dma_wait3A_183 = arith.constant 0 : i32
    %dma_wait3A_184 = arith.constant 0 : i32
    %dma_wait3A_185 = tpu.memref_slice %arg7[%dma_wait3A_183, %dma_wait3A_184] : memref<13000x8xf32, #tpu.memory_space<hbm>> -> memref<13000x8xf32, #tpu.memory_space<hbm>>
    tpu.wait_indirect_dma semaphore(%arg24 : memref<!tpu.dma_semaphore, #tpu.memory_space<semaphore_mem>>) src(%dma_wait3A_185 : memref<13000x8xf32, #tpu.memory_space<hbm>>) dst(%dma_wait3A_179 : memref<128x8xf32, #tpu.memory_space<vmem>>)
    %add3A_186 = arith.constant 256 : i32
    %add3A_187 = arith.addi %mul3A_2, %add3A_186 : i32
    %dma_start3A_188 = arith.constant 256 : i32
    %dma_start3A_189 = arith.constant 0 : i32
    %dma_start3A_190 = tpu.memref_slice %arg12[%dma_start3A_188, %dma_start3A_189] : memref<512x8xf32, #tpu.memory_space<vmem>> -> memref<128x8xf32, #tpu.memory_space<vmem>>
    %dma_start3A_191 = arith.constant 0 : i32
    %dma_start3A_192 = tpu.memref_slice %arg10[%add3A_187, %dma_start3A_191] : memref<16384x21xf32, #tpu.memory_space<hbm>> -> memref<128x8xf32, #tpu.memory_space<hbm>>
    %dma_start3A_193 = arith.constant 0 : i32
    %dma_start3A_194 = tpu.memref_slice %arg10[%add3A_187, %dma_start3A_193] : memref<16384x21xf32, #tpu.memory_space<hbm>> -> memref<128x8xf32, #tpu.memory_space<hbm>>
    %dma_start3A_195 = arith.constant 256 : i32
    %dma_start3A_196 = arith.constant 0 : i32
    %dma_start3A_197 = tpu.memref_slice %arg12[%dma_start3A_195, %dma_start3A_196] : memref<512x8xf32, #tpu.memory_space<vmem>> -> memref<128x8xf32, #tpu.memory_space<vmem>>
    tpu.enqueue_dma source(%dma_start3A_197 : memref<128x8xf32, #tpu.memory_space<vmem>>) target(%dma_start3A_194 : memref<128x8xf32, #tpu.memory_space<hbm>>) target_semaphore(%arg26 : memref<!tpu.dma_semaphore, #tpu.memory_space<semaphore_mem>>)
    %dma_wait3A_198 = arith.constant 3 : i32
    %dma_wait3A_199 = arith.constant 384 : i32
    %dma_wait3A_200 = arith.constant 0 : i32
    %dma_wait3A_201 = tpu.memref_slice %arg12[%dma_wait3A_199, %dma_wait3A_200] : memref<512x8xf32, #tpu.memory_space<vmem>> -> memref<128x8xf32, #tpu.memory_space<vmem>>
    %dma_wait3A_202 = arith.constant 0 : i32
    %dma_wait3A_203 = tpu.memref_slice %arg11[%dma_wait3A_198, %dma_wait3A_202] : memref<4x128xi32, #tpu.memory_space<vmem>> -> memref<1x128xi32, #tpu.memory_space<vmem>>
    %dma_wait3A_204 = tpu.memref_squeeze %dma_wait3A_203 : memref<1x128xi32, #tpu.memory_space<vmem>> -> memref<128xi32, #tpu.memory_space<vmem>>
    %dma_wait3A_205 = arith.constant 0 : i32
    %dma_wait3A_206 = arith.constant 0 : i32
    %dma_wait3A_207 = tpu.memref_slice %arg7[%dma_wait3A_205, %dma_wait3A_206] : memref<13000x8xf32, #tpu.memory_space<hbm>> -> memref<13000x8xf32, #tpu.memory_space<hbm>>
    tpu.wait_indirect_dma semaphore(%arg25 : memref<!tpu.dma_semaphore, #tpu.memory_space<semaphore_mem>>) src(%dma_wait3A_207 : memref<13000x8xf32, #tpu.memory_space<hbm>>) dst(%dma_wait3A_201 : memref<128x8xf32, #tpu.memory_space<vmem>>)
    %add3A_208 = arith.constant 384 : i32
    %add3A_209 = arith.addi %mul3A_2, %add3A_208 : i32
    %dma_start3A_210 = arith.constant 384 : i32
    %dma_start3A_211 = arith.constant 0 : i32
    %dma_start3A_212 = tpu.memref_slice %arg12[%dma_start3A_210, %dma_start3A_211] : memref<512x8xf32, #tpu.memory_space<vmem>> -> memref<128x8xf32, #tpu.memory_space<vmem>>
    %dma_start3A_213 = arith.constant 0 : i32
    %dma_start3A_214 = tpu.memref_slice %arg10[%add3A_209, %dma_start3A_213] : memref<16384x21xf32, #tpu.memory_space<hbm>> -> memref<128x8xf32, #tpu.memory_space<hbm>>
    %dma_start3A_215 = arith.constant 0 : i32
    %dma_start3A_216 = tpu.memref_slice %arg10[%add3A_209, %dma_start3A_215] : memref<16384x21xf32, #tpu.memory_space<hbm>> -> memref<128x8xf32, #tpu.memory_space<hbm>>
    %dma_start3A_217 = arith.constant 384 : i32
    %dma_start3A_218 = arith.constant 0 : i32
    %dma_start3A_219 = tpu.memref_slice %arg12[%dma_start3A_217, %dma_start3A_218] : memref<512x8xf32, #tpu.memory_space<vmem>> -> memref<128x8xf32, #tpu.memory_space<vmem>>
    tpu.enqueue_dma source(%dma_start3A_219 : memref<128x8xf32, #tpu.memory_space<vmem>>) target(%dma_start3A_216 : memref<128x8xf32, #tpu.memory_space<hbm>>) target_semaphore(%arg26 : memref<!tpu.dma_semaphore, #tpu.memory_space<semaphore_mem>>)
    %dma_wait3A_220 = arith.constant 0 : i32
    %dma_wait3A_221 = arith.constant 0 : i32
    %dma_wait3A_222 = tpu.memref_slice %arg19[%dma_wait3A_220, %dma_wait3A_221] : memref<512x13xf32, #tpu.memory_space<vmem>> -> memref<128x13xf32, #tpu.memory_space<vmem>>
    %dma_wait3A_223 = arith.constant 8 : i32
    %dma_wait3A_224 = tpu.memref_slice %arg10[%add3A_76, %dma_wait3A_223] : memref<16384x21xf32, #tpu.memory_space<hbm>> -> memref<128x13xf32, #tpu.memory_space<hbm>>
    %dma_wait3A_225 = arith.constant 8 : i32
    %dma_wait3A_226 = tpu.memref_slice %arg10[%add3A_76, %dma_wait3A_225] : memref<16384x21xf32, #tpu.memory_space<hbm>> -> memref<128x13xf32, #tpu.memory_space<hbm>>
    %dma_wait3A_227 = arith.constant 0 : i32
    %dma_wait3A_228 = arith.constant 0 : i32
    %dma_wait3A_229 = tpu.memref_slice %arg19[%dma_wait3A_227, %dma_wait3A_228] : memref<512x13xf32, #tpu.memory_space<vmem>> -> memref<128x13xf32, #tpu.memory_space<vmem>>
    tpu.wait_dma2 semaphore(%arg26 : memref<!tpu.dma_semaphore, #tpu.memory_space<semaphore_mem>>) src(%dma_wait3A_229 : memref<128x13xf32, #tpu.memory_space<vmem>>) dst(%dma_wait3A_226 : memref<128x13xf32, #tpu.memory_space<hbm>>)
    %dma_wait3A_230 = arith.constant 128 : i32
    %dma_wait3A_231 = arith.constant 0 : i32
    %dma_wait3A_232 = tpu.memref_slice %arg19[%dma_wait3A_230, %dma_wait3A_231] : memref<512x13xf32, #tpu.memory_space<vmem>> -> memref<128x13xf32, #tpu.memory_space<vmem>>
    %dma_wait3A_233 = arith.constant 8 : i32
    %dma_wait3A_234 = tpu.memref_slice %arg10[%add3A_91, %dma_wait3A_233] : memref<16384x21xf32, #tpu.memory_space<hbm>> -> memref<128x13xf32, #tpu.memory_space<hbm>>
    %dma_wait3A_235 = arith.constant 8 : i32
    %dma_wait3A_236 = tpu.memref_slice %arg10[%add3A_91, %dma_wait3A_235] : memref<16384x21xf32, #tpu.memory_space<hbm>> -> memref<128x13xf32, #tpu.memory_space<hbm>>
    %dma_wait3A_237 = arith.constant 128 : i32
    %dma_wait3A_238 = arith.constant 0 : i32
    %dma_wait3A_239 = tpu.memref_slice %arg19[%dma_wait3A_237, %dma_wait3A_238] : memref<512x13xf32, #tpu.memory_space<vmem>> -> memref<128x13xf32, #tpu.memory_space<vmem>>
    tpu.wait_dma2 semaphore(%arg26 : memref<!tpu.dma_semaphore, #tpu.memory_space<semaphore_mem>>) src(%dma_wait3A_239 : memref<128x13xf32, #tpu.memory_space<vmem>>) dst(%dma_wait3A_236 : memref<128x13xf32, #tpu.memory_space<hbm>>)
    %dma_wait3A_240 = arith.constant 256 : i32
    %dma_wait3A_241 = arith.constant 0 : i32
    %dma_wait3A_242 = tpu.memref_slice %arg19[%dma_wait3A_240, %dma_wait3A_241] : memref<512x13xf32, #tpu.memory_space<vmem>> -> memref<128x13xf32, #tpu.memory_space<vmem>>
    %dma_wait3A_243 = arith.constant 8 : i32
    %dma_wait3A_244 = tpu.memref_slice %arg10[%add3A_106, %dma_wait3A_243] : memref<16384x21xf32, #tpu.memory_space<hbm>> -> memref<128x13xf32, #tpu.memory_space<hbm>>
    %dma_wait3A_245 = arith.constant 8 : i32
    %dma_wait3A_246 = tpu.memref_slice %arg10[%add3A_106, %dma_wait3A_245] : memref<16384x21xf32, #tpu.memory_space<hbm>> -> memref<128x13xf32, #tpu.memory_space<hbm>>
    %dma_wait3A_247 = arith.constant 256 : i32
    %dma_wait3A_248 = arith.constant 0 : i32
    %dma_wait3A_249 = tpu.memref_slice %arg19[%dma_wait3A_247, %dma_wait3A_248] : memref<512x13xf32, #tpu.memory_space<vmem>> -> memref<128x13xf32, #tpu.memory_space<vmem>>
    tpu.wait_dma2 semaphore(%arg26 : memref<!tpu.dma_semaphore, #tpu.memory_space<semaphore_mem>>) src(%dma_wait3A_249 : memref<128x13xf32, #tpu.memory_space<vmem>>) dst(%dma_wait3A_246 : memref<128x13xf32, #tpu.memory_space<hbm>>)
    %dma_wait3A_250 = arith.constant 384 : i32
    %dma_wait3A_251 = arith.constant 0 : i32
    %dma_wait3A_252 = tpu.memref_slice %arg19[%dma_wait3A_250, %dma_wait3A_251] : memref<512x13xf32, #tpu.memory_space<vmem>> -> memref<128x13xf32, #tpu.memory_space<vmem>>
    %dma_wait3A_253 = arith.constant 8 : i32
    %dma_wait3A_254 = tpu.memref_slice %arg10[%add3A_121, %dma_wait3A_253] : memref<16384x21xf32, #tpu.memory_space<hbm>> -> memref<128x13xf32, #tpu.memory_space<hbm>>
    %dma_wait3A_255 = arith.constant 8 : i32
    %dma_wait3A_256 = tpu.memref_slice %arg10[%add3A_121, %dma_wait3A_255] : memref<16384x21xf32, #tpu.memory_space<hbm>> -> memref<128x13xf32, #tpu.memory_space<hbm>>
    %dma_wait3A_257 = arith.constant 384 : i32
    %dma_wait3A_258 = arith.constant 0 : i32
    %dma_wait3A_259 = tpu.memref_slice %arg19[%dma_wait3A_257, %dma_wait3A_258] : memref<512x13xf32, #tpu.memory_space<vmem>> -> memref<128x13xf32, #tpu.memory_space<vmem>>
    tpu.wait_dma2 semaphore(%arg26 : memref<!tpu.dma_semaphore, #tpu.memory_space<semaphore_mem>>) src(%dma_wait3A_259 : memref<128x13xf32, #tpu.memory_space<vmem>>) dst(%dma_wait3A_256 : memref<128x13xf32, #tpu.memory_space<hbm>>)
    %dma_wait3A_260 = arith.constant 0 : i32
    %dma_wait3A_261 = arith.constant 0 : i32
    %dma_wait3A_262 = tpu.memref_slice %arg12[%dma_wait3A_260, %dma_wait3A_261] : memref<512x8xf32, #tpu.memory_space<vmem>> -> memref<128x8xf32, #tpu.memory_space<vmem>>
    %dma_wait3A_263 = arith.constant 0 : i32
    %dma_wait3A_264 = tpu.memref_slice %arg10[%add3A_143, %dma_wait3A_263] : memref<16384x21xf32, #tpu.memory_space<hbm>> -> memref<128x8xf32, #tpu.memory_space<hbm>>
    %dma_wait3A_265 = arith.constant 0 : i32
    %dma_wait3A_266 = tpu.memref_slice %arg10[%add3A_143, %dma_wait3A_265] : memref<16384x21xf32, #tpu.memory_space<hbm>> -> memref<128x8xf32, #tpu.memory_space<hbm>>
    %dma_wait3A_267 = arith.constant 0 : i32
    %dma_wait3A_268 = arith.constant 0 : i32
    %dma_wait3A_269 = tpu.memref_slice %arg12[%dma_wait3A_267, %dma_wait3A_268] : memref<512x8xf32, #tpu.memory_space<vmem>> -> memref<128x8xf32, #tpu.memory_space<vmem>>
    tpu.wait_dma2 semaphore(%arg26 : memref<!tpu.dma_semaphore, #tpu.memory_space<semaphore_mem>>) src(%dma_wait3A_269 : memref<128x8xf32, #tpu.memory_space<vmem>>) dst(%dma_wait3A_266 : memref<128x8xf32, #tpu.memory_space<hbm>>)
    %dma_wait3A_270 = arith.constant 128 : i32
    %dma_wait3A_271 = arith.constant 0 : i32
    %dma_wait3A_272 = tpu.memref_slice %arg12[%dma_wait3A_270, %dma_wait3A_271] : memref<512x8xf32, #tpu.memory_space<vmem>> -> memref<128x8xf32, #tpu.memory_space<vmem>>
    %dma_wait3A_273 = arith.constant 0 : i32
    %dma_wait3A_274 = tpu.memref_slice %arg10[%add3A_165, %dma_wait3A_273] : memref<16384x21xf32, #tpu.memory_space<hbm>> -> memref<128x8xf32, #tpu.memory_space<hbm>>
    %dma_wait3A_275 = arith.constant 0 : i32
    %dma_wait3A_276 = tpu.memref_slice %arg10[%add3A_165, %dma_wait3A_275] : memref<16384x21xf32, #tpu.memory_space<hbm>> -> memref<128x8xf32, #tpu.memory_space<hbm>>
    %dma_wait3A_277 = arith.constant 128 : i32
    %dma_wait3A_278 = arith.constant 0 : i32
    %dma_wait3A_279 = tpu.memref_slice %arg12[%dma_wait3A_277, %dma_wait3A_278] : memref<512x8xf32, #tpu.memory_space<vmem>> -> memref<128x8xf32, #tpu.memory_space<vmem>>
    tpu.wait_dma2 semaphore(%arg26 : memref<!tpu.dma_semaphore, #tpu.memory_space<semaphore_mem>>) src(%dma_wait3A_279 : memref<128x8xf32, #tpu.memory_space<vmem>>) dst(%dma_wait3A_276 : memref<128x8xf32, #tpu.memory_space<hbm>>)
    %dma_wait3A_280 = arith.constant 256 : i32
    %dma_wait3A_281 = arith.constant 0 : i32
    %dma_wait3A_282 = tpu.memref_slice %arg12[%dma_wait3A_280, %dma_wait3A_281] : memref<512x8xf32, #tpu.memory_space<vmem>> -> memref<128x8xf32, #tpu.memory_space<vmem>>
    %dma_wait3A_283 = arith.constant 0 : i32
    %dma_wait3A_284 = tpu.memref_slice %arg10[%add3A_187, %dma_wait3A_283] : memref<16384x21xf32, #tpu.memory_space<hbm>> -> memref<128x8xf32, #tpu.memory_space<hbm>>
    %dma_wait3A_285 = arith.constant 0 : i32
    %dma_wait3A_286 = tpu.memref_slice %arg10[%add3A_187, %dma_wait3A_285] : memref<16384x21xf32, #tpu.memory_space<hbm>> -> memref<128x8xf32, #tpu.memory_space<hbm>>
    %dma_wait3A_287 = arith.constant 256 : i32
    %dma_wait3A_288 = arith.constant 0 : i32
    %dma_wait3A_289 = tpu.memref_slice %arg12[%dma_wait3A_287, %dma_wait3A_288] : memref<512x8xf32, #tpu.memory_space<vmem>> -> memref<128x8xf32, #tpu.memory_space<vmem>>
    tpu.wait_dma2 semaphore(%arg26 : memref<!tpu.dma_semaphore, #tpu.memory_space<semaphore_mem>>) src(%dma_wait3A_289 : memref<128x8xf32, #tpu.memory_space<vmem>>) dst(%dma_wait3A_286 : memref<128x8xf32, #tpu.memory_space<hbm>>)
    %dma_wait3A_290 = arith.constant 384 : i32
    %dma_wait3A_291 = arith.constant 0 : i32
    %dma_wait3A_292 = tpu.memref_slice %arg12[%dma_wait3A_290, %dma_wait3A_291] : memref<512x8xf32, #tpu.memory_space<vmem>> -> memref<128x8xf32, #tpu.memory_space<vmem>>
    %dma_wait3A_293 = arith.constant 0 : i32
    %dma_wait3A_294 = tpu.memref_slice %arg10[%add3A_209, %dma_wait3A_293] : memref<16384x21xf32, #tpu.memory_space<hbm>> -> memref<128x8xf32, #tpu.memory_space<hbm>>
    %dma_wait3A_295 = arith.constant 0 : i32
    %dma_wait3A_296 = tpu.memref_slice %arg10[%add3A_209, %dma_wait3A_295] : memref<16384x21xf32, #tpu.memory_space<hbm>> -> memref<128x8xf32, #tpu.memory_space<hbm>>
    %dma_wait3A_297 = arith.constant 384 : i32
    %dma_wait3A_298 = arith.constant 0 : i32
    %dma_wait3A_299 = tpu.memref_slice %arg12[%dma_wait3A_297, %dma_wait3A_298] : memref<512x8xf32, #tpu.memory_space<vmem>> -> memref<128x8xf32, #tpu.memory_space<vmem>>
    tpu.wait_dma2 semaphore(%arg26 : memref<!tpu.dma_semaphore, #tpu.memory_space<semaphore_mem>>) src(%dma_wait3A_299 : memref<128x8xf32, #tpu.memory_space<vmem>>) dst(%dma_wait3A_296 : memref<128x8xf32, #tpu.memory_space<hbm>>)
    return
  }
}

</mosaic_0001>

<sc_bundles>
// kernel: kernel.3.cloned.1.call-start
scs
__scs_entry_jumppad:
0x0: {  	(pc) =	sbr.rel $0x88, $3  }
0x1: {  	(tag) =	ssettag $0x0;
	lr =	simm.s32 $0x1  }
0x2: {  	[smem:$0x3F99] =	sst lr;
	_ =	strace $0xD0000000  }
0x3: {  	_ = 	snop  }
0x4: {  	_ = 	snop  }
0x5: {  	_ = 	snop  }
0x6: {  	_ = 	snop  }
0x7: {  	_ = 	snop  }
__scs_overlays_trampoline_lowered:
0x8: {  	[smem:$0x3FA8] =	sst s0  }
0x9: {  	[smem:$0x3FA9] =	sst s1  }
0xa: {  	[smem:$0x3FAA] =	sst s2  }
0xb: {  	[smem:$0x3FAB] =	sst s3  }
0xc: {  	[smem:$0x3FAC] =	sst s4  }
0xd: {  	[smem:$0x3FAD] =	sst s5  }
0xe: {  	[smem:$0x3FAE] =	sst s6  }
0xf: {  	[smem:$0x3FAF] =	sst s7  }
0x10: {  	[smem:$0x3FB0] =	sst s8  }
0x11: {  	[smem:$0x3FB1] =	sst s9;
	s0 =	simm.s32 @!p0 $0x0  }
0x12: {  	s1 =	sld [smem:$0x3F97];
	s0 =	simm.s32 @p0 $0x1  }
0x13: {  	[smem:$0x3FB2] =	sst s0;
	s0 =	simm.s32 @!p1 $0x0  }
0x14: {  	s2 =	sld [smem:$0x3F96];
	s0 =	simm.s32 @p1 $0x1  }
0x15: {  	[smem:$0x3FB3] =	sst s0;
	s0 =	simm.s32 @!p2 $0x0  }
0x16: {  	s3 =	sld [smem:$0x3FDB];
	s0 =	simm.s32 @p2 $0x1  }
0x17: {  	s4 =	simm.s32 $0x1BF5;
	[smem:$0x3FB5] =	sst s0  }
0x18: {  	s0 =	sld [smem:$0x3F98];
	_ =	swait.ge [sflag:s4], $0x0  }
0x19: {  	s7 =	sld [smem:$0x3F99]  }
0x1a: {  	s8 =	sadd.s32 $0xFFFFE003, lr  }
0x1b: {  	s9 =	sadd.s32 $0xFFFFFEF7, lr;
	s5 =	simm.s32 $0xFFFFFFFF;
	p2 =	slt.u32 s8, $0xFFFFF086  }
0x1c: {  	p1 =	slt.u32 s9, $0xF7A;
	s5 =	simm.s32 @!p2 $0x0  }
0x1d: {  	s5 =	simm.s32 @p1 $0x1;
	p0 =	seq.s32 s7, s2  }
0x1e: {  	s7 =	smul.u32 @!p0 $0xF7A, s2;
	p2 =	seq.s32 @!p0 s5, $0x0  }
0x1f: {  	s9 =	smul.u32 $0xF7A, s1;
	s8 =	simm.s32 @!p0 $0x1BF5;
	p2 =	por !p2, p0  }
0x20: {  	[sflag:s8] =	ssyncset.s32 @!p0 $0xFFFFF086;
	s6 =	sadd.s32 @!p0 s3, s7;
	s7 =	simm.s32 @!p0 $0x108  }
0x21: {  	s3 =	sadd.s32 s3, s9;
	s6 =	sadd.s32 @!p0 $0x88, s6;
	s7 =	simm.s32 @p2 $0x1082  }
0x22: {  	[simem:s7], [sflag:s8] =	dma.local @!p0 [hbm:s6], $0xF7A  }
0x23: {  	s9 =	sor.u32 $0xD0000000, s2;
	s6 =	simm.s32 $0x108;
	_ =	swait.ge @!p0 [sflag:s8], $0x0  }
0x24: {  	s3 =	sadd.s32 $0x88, s3;
	s6 =	simm.s32 @!p1 $0x1082;
	[sflag:s4] =	ssyncset.s32 $0xFFFFF086  }
0x25: {  	[simem:s6], [sflag:s4] =	dma.local [hbm:s3], $0xF7A  }
0x26: {  	[smem:$0x3F99] =	sst s1;
	(tag) =	ssettag s2;
	_ =	strace s9  }
0x27: {  	s1 =	sld [smem:$0x3FA9]  }
0x28: {  	s2 =	sld [smem:$0x3FAA]  }
0x29: {  	s4 =	sld [smem:$0x3FAC]  }
0x2a: {  	p0 =	seq.s32 s5, $0x0;
	s5 =	sld [smem:$0x3FAD]  }
0x2b: {  	s6 =	sld [smem:$0x3FAE]  }
0x2c: {  	s7 =	sld [smem:$0x3FAF]  }
0x2d: {  	s3 =	simm.s32 $0x108;
	s8 =	sld [smem:$0x3FB0]  }
0x2e: {  	s3 =	simm.s32 @!p0 $0x1082;
	s9 =	sld [smem:$0x3FB1]  }
0x2f: {  	lr =	sadd.s32 s0, s3;
	s0 =	sld [smem:$0x3FA8]  }
0x30: {  	s3 =	sld [smem:$0x3FAB]  }
0x31: {  	[smem:$0x3FB4] =	sst s10  }
0x32: {  	s10 =	sld [smem:$0x3FB2];
	_ =	sdelay $0x3  }
0x33: {  	p0 =	seq.s32 s10, $0x1;
	s10 =	sld [smem:$0x3FB4];
	_ =	sdelay $0x3  }
0x34: {  	[smem:$0x3FB4] =	sst s10  }
0x35: {  	s10 =	sld [smem:$0x3FB3];
	_ =	sdelay $0x3  }
0x36: {  	p1 =	seq.s32 s10, $0x1;
	s10 =	sld [smem:$0x3FB4];
	_ =	sdelay $0x3  }
0x37: {  	[smem:$0x3FB4] =	sst s10  }
0x38: {  	s10 =	sld [smem:$0x3FB5]  }
0x39: {  	_ = 	snop;
	(pc) =	sbr.ind lr, $3  }
0x3a: {  	_ = 	snop  }
0x3b: {  	_ = 	snop  }
0x3c: {  	p2 =	seq.s32 s10, $0x1;
	s10 =	sld [smem:$0x3FB4]  }
0x3d: {  	_ =	shalt  }
0x3e: {  	_ =	shalt  }
0x3f: {  	_ =	shalt  }
0x40: {  	_ =	shalt  }
0x41: {  	_ =	shalt  }
0x42: {  	_ =	shalt  }
0x43: {  	_ =	shalt  }
0x44: {  	_ =	shalt  }
0x45: {  	_ =	shalt  }
0x46: {  	_ =	shalt  }
0x47: {  	_ =	shalt  }
0x48: {  	_ =	shalt  }
0x49: {  	_ =	shalt  }
0x4a: {  	_ =	shalt  }
0x4b: {  	_ =	shalt  }
0x4c: {  	_ =	shalt  }
0x4d: {  	_ =	shalt  }
0x4e: {  	_ =	shalt  }
0x4f: {  	_ =	shalt  }
0x50: {  	_ =	shalt  }
0x51: {  	_ =	shalt  }
0x52: {  	_ =	shalt  }
0x53: {  	_ =	shalt  }
0x54: {  	_ =	shalt  }
0x55: {  	_ =	shalt  }
0x56: {  	_ =	shalt  }
0x57: {  	_ =	shalt  }
0x58: {  	_ =	shalt  }
0x59: {  	_ =	shalt  }
0x5a: {  	_ =	shalt  }
0x5b: {  	_ =	shalt  }
0x5c: {  	_ =	shalt  }
0x5d: {  	_ =	shalt  }
0x5e: {  	_ =	shalt  }
0x5f: {  	_ =	shalt  }
0x60: {  	_ =	shalt  }
0x61: {  	_ =	shalt  }
0x62: {  	_ =	shalt  }
0x63: {  	_ =	shalt  }
0x64: {  	_ =	shalt  }
0x65: {  	_ =	shalt  }
0x66: {  	_ =	shalt  }
0x67: {  	_ =	shalt  }
0x68: {  	_ =	shalt  }
0x69: {  	_ =	shalt  }
0x6a: {  	_ =	shalt  }
0x6b: {  	_ =	shalt  }
0x6c: {  	_ =	shalt  }
0x6d: {  	_ =	shalt  }
0x6e: {  	_ =	shalt  }
0x6f: {  	_ =	shalt  }
0x70: {  	_ =	shalt  }
0x71: {  	_ =	shalt  }
0x72: {  	_ =	shalt  }
0x73: {  	_ =	shalt  }
0x74: {  	_ =	shalt  }
0x75: {  	_ =	shalt  }
0x76: {  	_ =	shalt  }
0x77: {  	_ =	shalt  }
0x78: {  	_ =	shalt  }
0x79: {  	_ =	shalt  }
0x7a: {  	_ =	shalt  }
0x7b: {  	_ =	shalt  }
0x7c: {  	_ =	shalt  }
0x7d: {  	_ =	shalt  }
0x7e: {  	_ =	shalt  }
0x7f: {  	_ =	shalt  }
0x80: {  	_ =	shalt  }
0x81: {  	_ =	shalt  }
0x82: {  	_ =	shalt  }
0x83: {  	_ =	shalt  }
0x84: {  	_ =	shalt  }
0x85: {  	_ =	shalt  }
0x86: {  	_ =	shalt  }
0x87: {  	_ =	shalt  }
.Lfunc_end0:
.L_simem_size_0:
called_computation_lowered:
.L_overlay_start_0:
0x88: {  	s2 =	sld [smem:$0x3FD9]  }
0x89: {  	s3 =	sld [smem:$0x3FFE];
	_ =	sdelay $0x1  }
0x8a: {  	s1 =	srdreg.scid  }
0x8b: {  	s0 =	sand.u32 $0x1, s1  }
0x8c: {  	s17 =	sshll.u32 s0, $0xA;
	s2 =	sadd.s32 s3, s2  }
0x8d: {  	s2 =	sadd.s32 s2, s17  }
0x8e: {  	[smem:$0x3FC0] =	sst s2  }
0x8f: {  	_ = 	snop  }
0x90: {  	s2 =	sld [smem:$0x3FC9]  }
0x91: {  	s18 =	sld [smem:$0x3FC8]  }
0x92: {  	s4 =	sld [smem:$0x3FC7]  }
0x93: {  	s5 =	sld [smem:$0x3FC6]  }
0x94: {  	s6 =	sld [smem:$0x3FC5]  }
0x95: {  	s7 =	sld [smem:$0x3FD0];
	(tm) =	ssettm $0x1  }
0x96: {  	s8 =	sld [smem:$0x3FFB];
	_ =	sdelay $0x3  }
0x97: {  	_ =	strace s8  }
0x98: {  	s8 =	sld [smem:$0x3FFC];
	_ =	sdelay $0x3  }
0x99: {  	_ =	strace s8  }
0x9a: {  	s8 =	sld [smem:$0x3FFD];
	_ =	sdelay $0x3  }
0x9b: {  	_ =	strace s8  }
0x9c: {  	_ =	strace $0x8FFFFFFF  }
0x9d: {  	s19 =	sld [smem:$0x3FDB];
	_ =	sdelay $0x1  }
0x9e: {  	s9 =	simm.s32 $_scs_section_size  }
0x9f: {  	s10 =	simm.s32 $_size__tile_overlayer_lowered;
	s11 =	simm.s32 $_tile_overlayer_lowered  }
0xa0: {  	s22 =	simm.s32 $0x1BFF;
	s21 =	sshll.u32 s11, $0x1;
	s8 =	sadd.s32 s9, s19  }
0xa1: {  	s12 =	simm.s32 $0x0;
	s20 =	sshll.u32 s10, $0x1;
	s10 =	sadd.s32 s21, s8  }
0xa2: {  	[timem:s12], [sflag:s22] =	dma.local [hbm:s10], s20  }
0xa3: {  	_ =	swait.ge [sflag:s22], s20  }
0xa4: {  	s9 =	ssub.s32 $0x0, s20;
	[sflag:s22] =	ssyncset.done $0x0  }
0xa5: {  	[sflag:s22] =	ssyncadd.s32 s9;
	_ =	sdelay $0x1  }
0xa6: {  	s23 =	simm.s32 $0x1B8B  }
0xa7: {  	_ =	swait.ge [sflag:s23], $0x1  }
0xa8: {  	[sflag:s23] =	ssyncset.done $0x0  }
0xa9: {  	s25 =	simm.s32 $0x1B8E;
	s24 =	sld [smem:$0x3FFE];
	[sflag:s23] =	ssyncadd.s32 $0xFFFFFFFF  }
0xaa: {  	s26 =	simm.s32 $execute0_lowered;
	[smem:$0x3FD2] =	sst s25  }
0xab: {  	s10 =	sshll.u32 s26, $0x1;
	_ =	strace $0x80000046;
	[dreg:$0x1] =	wrdreg $0xFFFFFFFF  }
0xac: {  	s28 =	simm.s32 $_size_execute0_lowered;
	s8 =	sadd.s32 s8, s10;
	[dreg:$0x0] =	wrdreg $0x0  }
0xad: {  	s10 =	sshll.u32 s28, $0x1;
	[dreg:$0x2] =	wrdreg s8  }
0xae: {  	[dreg:$0x3] =	wrdreg s10  }
0xaf: {  	[dreg:$0x4] =	wrdreg $0xC0  }
0xb0: {  	_ =	task [dreg:s12], $0x5FFFF  }
0xb1: {  	[dreg:$0x1] =	wrdreg $0xFFFFFFFF  }
0xb2: {  	[dreg:$0x0] =	wrdreg $0x60  }
0xb3: {  	[dreg:$0x2] =	wrdreg s2  }
0xb4: {  	[dreg:$0x3] =	wrdreg s18  }
0xb5: {  	[dreg:$0x4] =	wrdreg s4  }
0xb6: {  	[dreg:$0x5] =	wrdreg s6  }
0xb7: {  	[dreg:$0x6] =	wrdreg s5  }
0xb8: {  	[dreg:$0x7] =	wrdreg s24  }
0xb9: {  	[dreg:$0x8] =	wrdreg s7  }
0xba: {  	[dreg:$0x9] =	wrdreg $0x9  }
0xbb: {  	_ =	task.clear_ibuf [dreg:s12], $0xAFFFF;
	_ =	strace $0x90000046  }
0xbc: {  	s29 =	simm.s32 $0x9;
	_ =	strace $0x80000048  }
0xbd: {  	_ =	swait.ge [sflag:s29], $0x1  }
0xbe: {  	[sflag:s29] =	ssyncadd.s32 $0xFFFFFFFF  }
0xbf: {  	_ =	strace $0x90000048  }
0xc0: {  	_ =	sfence  }
0xc1: {  	s30 =	sld [smem:$0x0];
	_ =	sdelay $0x2  }
0xc2: {  	s31 =	sshll.u32 s1, $0xD;
	s1 =	sshrl.u32 s1, $0x2  }
0xc3: {  	s3 =	sand.u32 $0x4000, s31;
	s1 =	sadd.s32 s1, s30  }
0xc4: {  	s0 =	sor.u32 s3, s0;
	s1 =	sshll.u32 s1, $0x11  }
0xc5: {  	s0 =	sor.u32 s1, s0  }
0xc6: {  	s0 =	sadd.s32 $0x8F2B, s0  }
0xc7: {  	[sflag:s0] =	ssyncadd.remote.s32 $0x1  }
0xc8: {  	_ =	sfence.sel $0xFFFF  }
0xc9: {  	[dreg:$0x0] =	wrdreg $0xFFFFFFFF;
	(pc) =	sbr.abs _section_cstart, $3  }
0xca: {  	[dreg:$0x1] =	wrdreg $0xFFFFFFFF  }
0xcb: {  	_ =	task.clear_ibuf [dreg:s12], $0x2FFFF;
	_ =	strace $0x9FFFFFFF  }
0xcc: {  	(tm) =	ssettm $0x7FFFFFFF  }
0xcd: {  	_ =	shalt  }
tec
execute0_lowered:
.L_overlay_start_1:
0x0: {  	(tag) =	ssettag $0x1  }
0x1: {  	s3 =	rddreg [dreg:$0x0]  }
0x2: {  	s5 =	rddreg [dreg:$0x1]  }
0x3: {  	s6 =	rddreg [dreg:$0x2]  }
0x4: {  	s7 =	rddreg [dreg:$0x3]  }
0x5: {  	s8 =	rddreg [dreg:$0x4]  }
0x6: {  	s4 =	rddreg [dreg:$0x5];
	v0 =	vlaneseq.u32  }
0x7: {  	s0 =	rddreg [dreg:$0x6];
	s2 =	simm.s32 $0x0;
	s9 =	srdreg.scid;
	v0 =	vmul.u32 $0x10, v0  }
0x8: {  	s1 =	stileid.u32;
	s26 =	simm.s32 $0x1B38;
	s28 =	simm.s32 $0x8  }
0x9: {  	s29 =	simm.s32 $0x4;
	s30 =	simm.s32 $0x5;
	[smem:$0x7FF] =	sst s2;
	v1 =	vor.u32 $0x1, v0  }
0xa: {  	s31 =	simm.s32 $0x6;
	s11 =	sadd.s32 $0x400, s4;
	_ =	strace $0x80000047;
	[tilespmem:$0x1FE90] =	vst v1;
	v1 =	vor.u32 $0x2, v0  }
0xb: {  	s10 =	sshll.u32 s1, $0x1;
	s1 =	sadd.s32 $0x600, s4;
	[dreg:$0x8] =	wrdreg s11;
	[tilespmem:$0x1FEA0] =	vst v1;
	v1 =	vor.u32 $0x3, v0  }
0xc: {  	s9 =	sand.u32 $0x1, s9;
	s4 =	sadd.s32 $0x800, s4;
	[dreg:$0x9] =	wrdreg s1;
	[tilespmem:$0x1FEB0] =	vst v1;
	v1 =	vor.u32 $0x4, v0  }
0xd: {  	s10 =	sor.u32 s9, s10;
	s21 =	ssub.s32 $0x2, s9;
	[dreg:$0x16] =	wrdreg s26;
	v24 =	vor.u32 $0x10B, v0;
	[tilespmem:$0x1FEC0] =	vst v1;
	v1 =	vor.u32 $0x5, v0  }
0xe: {  	s9 =	simm.s32 $0x1200;
	s12 =	sshll.u32 s10, $0x6;
	s13 =	smul.u32 $0x600, s10;
	v25 =	vor.u32 $0x10C, v0;
	v26 =	vor.u32 $0x200, v0;
	[tilespmem:$0x1FED0] =	vst v1;
	v1 =	vor.u32 $0x6, v0  }
0xf: {  	s26 =	simm.s32 $0x3;
	s15 =	smul.u32 $0x3000, s10;
	v27 =	vor.u32 $0x201, v0;
	v28 =	vor.u32 $0x202, v0;
	s3 =	sadd.s32 s3, s12;
	[tilespmem:$0x1FEE0] =	vst v1;
	v1 =	vor.u32 $0x7, v0  }
0x10: {  	s23 =	sshrl.u32 s21, $0x1;
	v29 =	vor.u32 $0x203, v0;
	v30 =	vor.u32 $0x204, v0;
	s5 =	sadd.s32 s5, s12;
	[dreg:$0xa] =	wrdreg s3;
	[tilespmem:$0x1FEF0] =	vst v1;
	v1 =	vor.u32 $0x8, v0  }
0x11: {  	v31 =	vor.u32 $0x205, v0;
	v32 =	vor.u32 $0x206, v0;
	s10 =	simm.s32 $0x1238;
	s11 =	sadd.s32 s6, s12;
	[dreg:$0xb] =	wrdreg s5;
	[tilespmem:$0x1FF00] =	vst v1;
	v1 =	vor.u32 $0x9, v0  }
0x12: {  	v33 =	vor.u32 $0x207, v0;
	v34 =	vor.u32 $0x208, v0;
	s14 =	sadd.s32 s7, s12;
	s16 =	sadd.s32 s8, s12;
	[dreg:$0xc] =	wrdreg s11;
	[tilespmem:$0x1FF10] =	vst v1;
	v1 =	vor.u32 $0xA, v0  }
0x13: {  	v35 =	vor.u32 $0x209, v0;
	v36 =	vor.u32 $0x20A, v0;
	s8 =	simm.s32 $0x2138;
	s12 =	simm.s32 $0x80;
	[dreg:$0xd] =	wrdreg s14;
	[tilespmem:$0x1FF20] =	vst v1;
	v1 =	vor.u32 $0xB, v0  }
0x14: {  	v37 =	vor.u32 $0x20B, v0;
	v38 =	vor.u32 $0x20C, v0;
	s3 =	sadd.s32 s0, s13;
	[dreg:$0xe] =	wrdreg s16;
	s17 =	sshrl.u32 s15, $0x3;
	[tilespmem:$0x1FF30] =	vst v1;
	v1 =	vor.u32 $0xC, v0  }
0x15: {  	v39 =	vor.u32 $0x300, v0;
	v40 =	vor.u32 $0x301, v0;
	s19 =	sadd.s32 $0x1808, s15;
	s6 =	sadd.s32 $0x2408, s15;
	s11 =	simm.s32 $0x1;
	[tilespmem:$0x1FF40] =	vst v1;
	v1 =	vor.u32 $0x100, v0  }
0x16: {  	v41 =	vor.u32 $0x302, v0;
	v42 =	vor.u32 $0x303, v0;
	s13 =	simm.s32 $0x200;
	s14 =	simm.s32 $0x600;
	s15 =	simm.s32 $0x100;
	[tilespmem:$0x1FF50] =	vst v1;
	v1 =	vor.u32 $0x101, v0  }
0x17: {  	v43 =	vor.u32 $0x304, v0;
	v44 =	vor.u32 $0x305, v0;
	s16 =	simm.s32 $0xA00;
	s5 =	sadd.s32 $0x1, s3;
	s18 =	sadd.s32 s0, s17;
	[tilespmem:$0x1FF60] =	vst v1;
	v1 =	vor.u32 $0x102, v0  }
0x18: {  	v45 =	vor.u32 $0x306, v0;
	v46 =	vor.u32 $0x307, v0;
	s7 =	sshrl.u32 s19, $0x3;
	[dreg:$0xf] =	wrdreg s5;
	s20 =	sadd.s32 $0x181, s18;
	[tilespmem:$0x1FF70] =	vst v1;
	v1 =	vor.u32 $0x103, v0  }
0x19: {  	v47 =	vor.u32 $0x308, v0;
	v48 =	vor.u32 $0x309, v0;
	s6 =	sshrl.u32 s6, $0x3;
	s7 =	sadd.s32 s0, s7;
	[dreg:$0x10] =	wrdreg s20;
	[tilespmem:$0x1FF80] =	vst v1;
	v1 =	vor.u32 $0x104, v0  }
0x1a: {  	v49 =	vor.u32 $0x30A, v0;
	v50 =	vor.u32 $0x30B, v0;
	s17 =	simm.s32 $0x180;
	s0 =	sadd.s32 s0, s6;
	[dreg:$0x11] =	wrdreg s7;
	[tilespmem:$0x1FF90] =	vst v1;
	v1 =	vor.u32 $0x105, v0  }
0x1b: {  	v51 =	vor.u32 $0x30C, v0;
	v52 =	vor.u32 $0x400, v0;
	s19 =	simm.s32 $0x2;
	s22 =	sadd.s32 $0x180, s18;
	[dreg:$0x12] =	wrdreg s0;
	[tilespmem:$0x1FFA0] =	vst v1;
	v1 =	vor.u32 $0x106, v0  }
0x1c: {  	v53 =	vor.u32 $0x401, v0;
	v54 =	vor.u32 $0x402, v0;
	s24 =	sadd.s32 $0x300, s18;
	s6 =	ssub.s32 s21, s23;
	[dreg:$0x13] =	wrdreg s22;
	[tilespmem:$0x1FFB0] =	vst v1;
	v1 =	vor.u32 $0x107, v0  }
0x1d: {  	v55 =	vor.u32 $0x403, v0;
	v56 =	vor.u32 $0x404, v0;
	s25 =	sadd.s32 $0x480, s18;
	s18 =	simm.s32 $0xE00;
	[dreg:$0x14] =	wrdreg s24;
	[tilespmem:$0x1FFC0] =	vst v1;
	v1 =	vor.u32 $0x108, v0  }
0x1e: {  	v57 =	vor.u32 $0x405, v0;
	v58 =	vor.u32 $0x406, v0;
	s21 =	simm.s32 $0x10;
	s23 =	simm.s32 $0x2B38;
	[dreg:$0x15] =	wrdreg s25;
	[tilespmem:$0x1FFD0] =	vst v1;
	v1 =	vor.u32 $0x109, v0  }
0x1f: {  	v59 =	vor.u32 $0x407, v0;
	v60 =	vor.u32 $0x408, v0;
	s5 =	smax.u32 s6, $0x1;
	s20 =	simm.s32 $0x2338;
	s22 =	simm.s32 $0x18;
	[tilespmem:$0x1FFE0] =	vst v1;
	v1 =	vor.u32 $0x10A, v0  }
0x20: {  	v61 =	vor.u32 $0x409, v0;
	v62 =	vor.u32 $0x40A, v0;
	v63 =	vor.u32 $0x40B, v0;
	s24 =	simm.s32 $0x3338;
	s25 =	simm.s32 $0x3B38;
	s0 =	simm.s32 $0x7;
	[tilespmem:$0x1FFF0] =	vst v1  }
.LBB2_1:
0x21: {  	s1 =	rddreg [dreg:$0xa]  }
0x22: {  	s6 =	rddreg [dreg:$0xb]  }
0x23: {  	[tilespmem:s2], [sflag:$0x1] =	stream.linear.gather [hbm4b:s1+s2], $0x200, $0x38;
	[tilespmem:$0x4338] =	vst v63  }
0x24: {  	s7 =	rddreg [dreg:$0x16]  }
0x25: {  	[tilespmem:s7], [sflag:$0x2] =	stream.linear.gather [hbm4b:s6+s2], $0x200, $0x38;
	[tilespmem:$0x4338] =	vst v63  }
0x26: {  	s1 =	rddreg [dreg:$0xc];
	s7 =	simm.s32 $0x1D38  }
0x27: {  	[tilespmem:s7], [sflag:$0x2] =	stream.linear.gather [hbm4b:s1+s2], $0x200, $0x38;
	[tilespmem:$0x4338] =	vst v63  }
0x28: {  	s6 =	rddreg [dreg:$0xd];
	s7 =	simm.s32 $0x1F38  }
0x29: {  	[tilespmem:s7], [sflag:$0x2] =	stream.linear.gather [hbm4b:s6+s2], $0x200, $0x38;
	[tilespmem:$0x4338] =	vst v63  }
0x2a: {  	s1 =	rddreg [dreg:$0xe]  }
0x2b: {  	[tilespmem:s8], [sflag:$0x2] =	stream.linear.gather [hbm4b:s1+s2], $0x200, $0x38;
	[tilespmem:$0x4338] =	vst v63  }
0x2c: {  	s6 =	rddreg [dreg:$0x8]  }
0x2d: {  	[tilespmem:s9], [sflag:$0x2] =	stream.linear.gather [hbm4b:s6+s2], $0x38, $0x38;
	[tilespmem:$0x4338] =	vst v63  }
0x2e: {  	s7 =	rddreg [dreg:$0x9]  }
0x2f: {  	[tilespmem:s10], [sflag:$0x2] =	stream.linear.gather [hbm4b:s7+s2], $0x900, $0x38;
	[tilespmem:$0x4338] =	vst v63  }
0x30: {  	_ =	swait.ge [sflag:s11], $0x200  }
0x31: {  	[sflag:s11] =	ssyncset.done $0x0  }
0x32: {  	[sflag:s11] =	ssyncadd.s32 $0xFFFFFE00  }
0x33: {  	[tilespmem:s13], [sflag:$0x3] =	stream.indirect.gather [hbm4b:s4+s12], $0x8, s2, s12, $0xb8;
	[tilespmem:$0x4338] =	vst v63  }
0x34: {  	_ = 	snop  }
0x35: {  	[tilespmem:s14], [sflag:$0x4] =	stream.indirect.gather [hbm4b:s4+s12], $0x8, s12, s12, $0xb8;
	[tilespmem:$0x4338] =	vst v63  }
0x36: {  	_ = 	snop  }
0x37: {  	[tilespmem:s16], [sflag:$0x5] =	stream.indirect.gather [hbm4b:s4+s12], $0x8, s15, s12, $0xb8;
	[tilespmem:$0x4338] =	vst v63  }
0x38: {  	_ = 	snop  }
0x39: {  	[tilespmem:s18], [sflag:$0x6] =	stream.indirect.gather [hbm4b:s4+s12], $0x8, s17, s12, $0xb8;
	[tilespmem:$0x4338] =	vst v63  }
0x3a: {  	_ =	swait.ge [sflag:s19], $0x200  }
0x3b: {  	[sflag:s19] =	ssyncset.done $0x0  }
0x3c: {  	[sflag:s19] =	ssyncadd.s32 $0xFFFFFE00  }
0x3d: {  	_ =	swait.ge [sflag:s19], $0x200  }
0x3e: {  	[sflag:s19] =	ssyncset.done $0x0  }
0x3f: {  	[sflag:s19] =	ssyncadd.s32 $0xFFFFFE00  }
0x40: {  	_ =	swait.ge [sflag:s19], $0x200  }
0x41: {  	[sflag:s19] =	ssyncset.done $0x0  }
0x42: {  	[sflag:s19] =	ssyncadd.s32 $0xFFFFFE00  }
0x43: {  	_ =	swait.ge [sflag:s19], $0x200  }
0x44: {  	[sflag:s19] =	ssyncset.done $0x0  }
0x45: {  	[sflag:s19] =	ssyncadd.s32 $0xFFFFFE00  }
0x46: {  	_ =	swait.ge [sflag:s19], $0x38  }
0x47: {  	[sflag:s19] =	ssyncset.done $0x0  }
0x48: {  	[sflag:s19] =	ssyncadd.s32 $0xFFFFFFC8  }
0x49: {  	_ =	swait.ge [sflag:s19], $0x900  }
0x4a: {  	[sflag:s19] =	ssyncset.done $0x0  }
0x4b: {  	[sflag:s19] =	ssyncadd.s32 $0xFFFFF700  }
0x4c: {  	v1 =	vld [tilespmem:$0x1B38];
	_ =	sdelay $0x4  }
0x4d: {  	v1 =	vshll.u32 v1, $0x3;
	_ =	sdelay $0x2  }
0x4e: {  	v2 =	vld [tilespmem:$0x1B48];
	_ =	sdelay $0x1  }
0x4f: {  	v3 =	vld.idx.msk [tilespmem:v1+s9+$0x0], $0xffff  }
0x50: {  	v4 =	vor.u32 $0x1, v1;
	_ =	sdelay $0x1  }
0x51: {  	v20 =	vld [tilespmem:$0x1FE90];
	v2 =	vshll.u32 v2, $0x3;
	_ =	sdelay $0x1  }
0x52: {  	v19 =	vld [tilespmem:$0x1FF50];
	[tilespmem:v0+s20+$0x0] =	vst.idx.msk $0xffff, v3  }
0x53: {  	v3 =	vld.idx.msk [tilespmem:v4+s9+$0x0], $0xffff;
	_ =	sdelay $0x1  }
0x54: {  	v5 =	vld.idx.msk [tilespmem:v2+s9+$0x0], $0xffff  }
0x55: {  	v6 =	vor.u32 $0x1, v2;
	_ =	sdelay $0x1  }
0x56: {  	[tilespmem:v20+s20+$0x0] =	vst.idx.msk $0xffff, v3;
	v3 =	vld [tilespmem:$0x1FF60];
	_ =	sdelay $0x1  }
0x57: {  	[tilespmem:v19+s20+$0x0] =	vst.idx.msk $0xffff, v5  }
0x58: {  	v4 =	vld.idx.msk [tilespmem:v6+s9+$0x0], $0xffff;
	_ =	sdelay $0x2  }
0x59: {  	v1 =	vor.u32 $0x2, v1;
	_ =	sdelay $0x1  }
0x5a: {  	[tilespmem:v3+s20+$0x0] =	vst.idx.msk $0xffff, v4;
	v3 =	vld [tilespmem:$0x1FEA0];
	_ =	sdelay $0x2  }
0x5b: {  	v1 =	vld.idx.msk [tilespmem:v1+s9+$0x0], $0xffff;
	_ =	sdelay $0x2  }
0x5c: {  	v2 =	vor.u32 $0x2, v2;
	_ =	sdelay $0x1  }
0x5d: {  	[tilespmem:v3+s20+$0x0] =	vst.idx.msk $0xffff, v1;
	v3 =	vld [tilespmem:$0x1FF70]  }
0x5e: {  	v1 =	vld [tilespmem:$0x1D38];
	_ =	sdelay $0x1  }
0x5f: {  	v2 =	vld.idx.msk [tilespmem:v2+s9+$0x0], $0xffff;
	_ =	sdelay $0x2  }
0x60: {  	v1 =	vmul.u32 $0x18, v1;
	_ =	sdelay $0x1  }
0x61: {  	v7 =	vld [tilespmem:$0x1FEB0];
	[tilespmem:v3+s20+$0x0] =	vst.idx.msk $0xffff, v2  }
0x62: {  	v2 =	vld [tilespmem:$0x1D48];
	_ =	sdelay $0x2  }
0x63: {  	v3 =	vld.idx.msk [tilespmem:v1+s10+$0x0], $0xffff  }
0x64: {  	v21 =	vor.u32 $0x1, v1  }
0x65: {  	v2 =	vmul.u32 $0x18, v2  }
0x66: {  	v12 =	vld [tilespmem:$0x1FEC0];
	_ =	sdelay $0x1  }
0x67: {  	v9 =	vld [tilespmem:$0x1FF80];
	[tilespmem:v7+s20+$0x0] =	vst.idx.msk $0xffff, v3  }
0x68: {  	v3 =	vld.idx.msk [tilespmem:v21+s10+$0x0], $0xffff  }
0x69: {  	v10 =	vor.u32 $0x2, v1  }
0x6a: {  	v22 =	vld.idx.msk [tilespmem:v2+s10+$0x0], $0xffff  }
0x6b: {  	v16 =	vld [tilespmem:$0x1FED0];
	v23 =	vor.u32 $0x1, v2;
	_ =	sdelay $0x1  }
0x6c: {  	v13 =	vld [tilespmem:$0x1FF90];
	[tilespmem:v12+s20+$0x0] =	vst.idx.msk $0xffff, v3  }
0x6d: {  	v3 =	vld.idx.msk [tilespmem:v10+s10+$0x0], $0xffff  }
0x6e: {  	v14 =	vor.u32 $0x3, v1;
	[tilespmem:v9+s20+$0x0] =	vst.idx.msk $0xffff, v22  }
0x6f: {  	v5 =	vld.idx.msk [tilespmem:v23+s10+$0x0], $0xffff  }
0x70: {  	v20 =	vld [tilespmem:$0x1FEE0];
	v11 =	vor.u32 $0x2, v2;
	_ =	sdelay $0x1  }
0x71: {  	v17 =	vld [tilespmem:$0x1FFA0];
	[tilespmem:v16+s20+$0x0] =	vst.idx.msk $0xffff, v3  }
0x72: {  	v3 =	vld.idx.msk [tilespmem:v14+s10+$0x0], $0xffff  }
0x73: {  	v18 =	vor.u32 $0x4, v1;
	[tilespmem:v13+s20+$0x0] =	vst.idx.msk $0xffff, v5  }
0x74: {  	v5 =	vld.idx.msk [tilespmem:v11+s10+$0x0], $0xffff  }
0x75: {  	v15 =	vor.u32 $0x3, v2;
	v9 =	vld [tilespmem:$0x1FEF0];
	_ =	sdelay $0x1  }
0x76: {  	v21 =	vld [tilespmem:$0x1FFB0];
	[tilespmem:v20+s20+$0x0] =	vst.idx.msk $0xffff, v3  }
0x77: {  	v3 =	vld.idx.msk [tilespmem:v18+s10+$0x0], $0xffff  }
0x78: {  	v22 =	vor.u32 $0x5, v1;
	[tilespmem:v17+s20+$0x0] =	vst.idx.msk $0xffff, v5  }
0x79: {  	v5 =	vld.idx.msk [tilespmem:v15+s10+$0x0], $0xffff  }
0x7a: {  	v19 =	vor.u32 $0x4, v2;
	v13 =	vld [tilespmem:$0x1FF00];
	_ =	sdelay $0x1  }
0x7b: {  	v10 =	vld [tilespmem:$0x1FFC0];
	[tilespmem:v9+s20+$0x0] =	vst.idx.msk $0xffff, v3  }
0x7c: {  	v3 =	vld.idx.msk [tilespmem:v22+s10+$0x0], $0xffff  }
0x7d: {  	v11 =	vor.u32 $0x6, v1;
	[tilespmem:v21+s20+$0x0] =	vst.idx.msk $0xffff, v5  }
0x7e: {  	v5 =	vld.idx.msk [tilespmem:v19+s10+$0x0], $0xffff  }
0x7f: {  	v23 =	vor.u32 $0x5, v2;
	v15 =	vld [tilespmem:$0x1FF10];
	_ =	sdelay $0x1  }
0x80: {  	v14 =	vld [tilespmem:$0x1FFD0];
	[tilespmem:v13+s20+$0x0] =	vst.idx.msk $0xffff, v3  }
0x81: {  	v3 =	vld.idx.msk [tilespmem:v11+s10+$0x0], $0xffff  }
0x82: {  	[tilespmem:v10+s20+$0x0] =	vst.idx.msk $0xffff, v5  }
0x83: {  	v1 =	vor.u32 $0x7, v1;
	v5 =	vld.idx.msk [tilespmem:v23+s10+$0x0], $0xffff  }
0x84: {  	v12 =	vor.u32 $0x6, v2  }
0x85: {  	v9 =	vld [tilespmem:$0x1FF20]  }
0x86: {  	[tilespmem:v15+s20+$0x0] =	vst.idx.msk $0xffff, v3;
	v3 =	vld [tilespmem:$0x1FFE0]  }
0x87: {  	v17 =	vld [tilespmem:$0x1B78]  }
0x88: {  	v1 =	vld.idx.msk [tilespmem:v1+s10+$0x0], $0xffff;
	[tilespmem:v14+s20+$0x0] =	vst.idx.msk $0xffff, v5  }
0x89: {  	v4 =	vld.idx.msk [tilespmem:v12+s10+$0x0], $0xffff;
	_ =	sdelay $0x2  }
0x8a: {  	v2 =	vor.u32 $0x7, v2;
	v16 =	vld [tilespmem:$0x1B68]  }
0x8b: {  	v20 =	vld [tilespmem:$0x1FFF0];
	[tilespmem:v9+s20+$0x0] =	vst.idx.msk $0xffff, v1  }
0x8c: {  	v1 =	vshll.u32 v17, $0x3;
	[tilespmem:v3+s20+$0x0] =	vst.idx.msk $0xffff, v4;
	v3 =	vld [tilespmem:$0x1B58]  }
0x8d: {  	v18 =	vld [tilespmem:$0x1B88]  }
0x8e: {  	v19 =	vld [tilespmem:$0x1B98]  }
0x8f: {  	v4 =	vshll.u32 v16, $0x3;
	v2 =	vld.idx.msk [tilespmem:v2+s10+$0x0], $0xffff  }
0x90: {  	v8 =	vld [tilespmem:$0x1BA8]  }
0x91: {  	v13 =	vld.idx.msk [tilespmem:v1+s9+$0x0], $0xffff;
	v3 =	vshll.u32 v3, $0x3  }
0x92: {  	v14 =	vor.u32 $0x1, v1  }
0x93: {  	v6 =	vshll.u32 v19, $0x3  }
0x94: {  	v11 =	vld.idx.msk [tilespmem:v4+s9+$0x0], $0xffff;
	[tilespmem:v20+s20+$0x0] =	vst.idx.msk $0xffff, v2;
	v2 =	vshll.u32 v18, $0x3  }
0x95: {  	v12 =	vor.u32 $0x1, v4  }
0x96: {  	v8 =	vshll.u32 v8, $0x3;
	[tilespmem:v52+s20+$0x0] =	vst.idx.msk $0xffff, v13;
	v21 =	vld.idx.msk [tilespmem:v3+s9+$0x0], $0xffff  }
0x97: {  	v10 =	vor.u32 $0x1, v3;
	v13 =	vld.idx.msk [tilespmem:v14+s9+$0x0], $0xffff  }
0x98: {  	v19 =	vor.u32 $0x600, v0;
	v1 =	vor.u32 $0x2, v1;
	v18 =	vld.idx.msk [tilespmem:v6+s9+$0x0], $0xffff  }
0x99: {  	v7 =	vor.u32 $0x1, v6;
	v16 =	vor.u32 $0x500, v0;
	[tilespmem:v39+s20+$0x0] =	vst.idx.msk $0xffff, v11;
	v15 =	vld.idx.msk [tilespmem:v2+s9+$0x0], $0xffff  }
0x9a: {  	v17 =	vor.u32 $0x1, v2;
	v12 =	vld.idx.msk [tilespmem:v12+s9+$0x0], $0xffff  }
0x9b: {  	v4 =	vor.u32 $0x2, v4;
	v20 =	vld.idx.msk [tilespmem:v8+s9+$0x0], $0xffff;
	[tilespmem:v26+s20+$0x0] =	vst.idx.msk $0xffff, v21;
	v21 =	vor.u32 $0x700, v0  }
0x9c: {  	v22 =	vor.u32 $0x1, v8;
	[tilespmem:v53+s20+$0x0] =	vst.idx.msk $0xffff, v13;
	v10 =	vld.idx.msk [tilespmem:v10+s9+$0x0], $0xffff  }
0x9d: {  	v3 =	vor.u32 $0x2, v3;
	[tilespmem:v19+s20+$0x0] =	vst.idx.msk $0xffff, v18;
	v1 =	vld.idx.msk [tilespmem:v1+s9+$0x0], $0xffff  }
0x9e: {  	v7 =	vld.idx.msk [tilespmem:v7+s9+$0x0], $0xffff;
	[tilespmem:v16+s20+$0x0] =	vst.idx.msk $0xffff, v15;
	v16 =	vor.u32 $0x601, v0  }
0x9f: {  	v23 =	vor.u32 $0x501, v0;
	v6 =	vor.u32 $0x2, v6;
	[tilespmem:v40+s20+$0x0] =	vst.idx.msk $0xffff, v12;
	v14 =	vld.idx.msk [tilespmem:v17+s9+$0x0], $0xffff  }
0xa0: {  	v2 =	vor.u32 $0x2, v2;
	v4 =	vld.idx.msk [tilespmem:v4+s9+$0x0], $0xffff;
	[tilespmem:v21+s20+$0x0] =	vst.idx.msk $0xffff, v20  }
0xa1: {  	[tilespmem:v27+s20+$0x0] =	vst.idx.msk $0xffff, v10;
	v21 =	vld.idx.msk [tilespmem:v22+s9+$0x0], $0xffff;
	v22 =	vor.u32 $0x701, v0  }
0xa2: {  	v8 =	vor.u32 $0x2, v8;
	[tilespmem:v54+s20+$0x0] =	vst.idx.msk $0xffff, v1;
	v3 =	vld.idx.msk [tilespmem:v3+s9+$0x0], $0xffff  }
0xa3: {  	[tilespmem:v16+s20+$0x0] =	vst.idx.msk $0xffff, v7;
	v1 =	vld [tilespmem:$0x1D78]  }
0xa4: {  	v17 =	vor.u32 $0x602, v0;
	[tilespmem:v23+s20+$0x0] =	vst.idx.msk $0xffff, v14;
	v6 =	vld.idx.msk [tilespmem:v6+s9+$0x0], $0xffff  }
0xa5: {  	[tilespmem:v41+s20+$0x0] =	vst.idx.msk $0xffff, v4;
	v2 =	vld.idx.msk [tilespmem:v2+s9+$0x0], $0xffff  }
0xa6: {  	v23 =	vor.u32 $0x502, v0;
	v4 =	vld [tilespmem:$0x1D68];
	[tilespmem:v22+s20+$0x0] =	vst.idx.msk $0xffff, v21  }
0xa7: {  	v18 =	vor.u32 $0x702, v0;
	[tilespmem:v28+s20+$0x0] =	vst.idx.msk $0xffff, v3;
	v3 =	vld.idx.msk [tilespmem:v8+s9+$0x0], $0xffff  }
0xa8: {  	v19 =	vld [tilespmem:$0x1D58]  }
0xa9: {  	[tilespmem:v17+s20+$0x0] =	vst.idx.msk $0xffff, v6;
	v6 =	vmul.u32 $0x18, v1;
	v1 =	vld [tilespmem:$0x1FF30];
	_ =	sdelay $0x1  }
0xaa: {  	v5 =	vld [tilespmem:$0x2138];
	[tilespmem:v23+s20+$0x0] =	vst.idx.msk $0xffff, v2  }
0xab: {  	v2 =	vld [tilespmem:$0x1D88];
	[tilespmem:v18+s20+$0x0] =	vst.idx.msk $0xffff, v3  }
0xac: {  	v8 =	vmul.u32 $0x18, v19;
	v3 =	vld [tilespmem:$0x1DA8]  }
0xad: {  	v7 =	vmul.u32 $0x18, v4;
	_ =	sdelay $0x1  }
0xae: {  	v20 =	vld [tilespmem:$0x1D98]  }
0xaf: {  	[tilespmem:v1+s20+$0x0] =	vst.idx.msk $0xffff, v5;
	v5 =	vmul.u32 $0x18, v2  }
0xb0: {  	v3 =	vmul.u32 $0x18, v3  }
0xb1: {  	v21 =	vld.idx.msk [tilespmem:v8+s10+$0x0], $0xffff  }
0xb2: {  	v11 =	vld.idx.msk [tilespmem:v7+s10+$0x0], $0xffff;
	v10 =	vor.u32 $0x1, v8  }
0xb3: {  	v9 =	vld [tilespmem:$0x2148];
	v12 =	vor.u32 $0x1, v7;
	v4 =	vmul.u32 $0x18, v20  }
0xb4: {  	v13 =	vld.idx.msk [tilespmem:v6+s10+$0x0], $0xffff  }
0xb5: {  	v16 =	vor.u32 $0x503, v0;
	v14 =	vor.u32 $0x1, v6;
	v15 =	vld.idx.msk [tilespmem:v5+s10+$0x0], $0xffff  }
0xb6: {  	v17 =	vor.u32 $0x1, v5;
	[tilespmem:v29+s20+$0x0] =	vst.idx.msk $0xffff, v21;
	v20 =	vld.idx.msk [tilespmem:v3+s10+$0x0], $0xffff;
	v21 =	vor.u32 $0x703, v0  }
0xb7: {  	[tilespmem:v42+s20+$0x0] =	vst.idx.msk $0xffff, v11;
	v11 =	vor.u32 $0x1, v3;
	v10 =	vld.idx.msk [tilespmem:v10+s10+$0x0], $0xffff  }
0xb8: {  	[tilespmem:v24+s20+$0x0] =	vst.idx.msk $0xffff, v9;
	v22 =	vor.u32 $0x2, v8;
	v12 =	vld.idx.msk [tilespmem:v12+s10+$0x0], $0xffff  }
0xb9: {  	v19 =	vor.u32 $0x603, v0;
	[tilespmem:v55+s20+$0x0] =	vst.idx.msk $0xffff, v13;
	v13 =	vor.u32 $0x2, v7;
	v18 =	vld.idx.msk [tilespmem:v4+s10+$0x0], $0xffff  }
0xba: {  	v9 =	vor.u32 $0x1, v4;
	v14 =	vld.idx.msk [tilespmem:v14+s10+$0x0], $0xffff;
	[tilespmem:v16+s20+$0x0] =	vst.idx.msk $0xffff, v15  }
0xbb: {  	v15 =	vor.u32 $0x2, v6;
	v16 =	vld.idx.msk [tilespmem:v17+s10+$0x0], $0xffff;
	v17 =	vor.u32 $0x504, v0;
	[tilespmem:v21+s20+$0x0] =	vst.idx.msk $0xffff, v20  }
0xbc: {  	v20 =	vor.u32 $0x704, v0;
	[tilespmem:v30+s20+$0x0] =	vst.idx.msk $0xffff, v10;
	v11 =	vld.idx.msk [tilespmem:v11+s10+$0x0], $0xffff  }
0xbd: {  	[tilespmem:v43+s20+$0x0] =	vst.idx.msk $0xffff, v12;
	v12 =	vor.u32 $0x2, v3;
	v21 =	vld.idx.msk [tilespmem:v22+s10+$0x0], $0xffff  }
0xbe: {  	[tilespmem:v19+s20+$0x0] =	vst.idx.msk $0xffff, v18;
	v13 =	vld.idx.msk [tilespmem:v13+s10+$0x0], $0xffff;
	v22 =	vor.u32 $0x3, v8  }
0xbf: {  	v19 =	vor.u32 $0x604, v0;
	[tilespmem:v56+s20+$0x0] =	vst.idx.msk $0xffff, v14;
	v14 =	vor.u32 $0x3, v7;
	v9 =	vld.idx.msk [tilespmem:v9+s10+$0x0], $0xffff  }
0xc0: {  	v18 =	vor.u32 $0x2, v5;
	v15 =	vld.idx.msk [tilespmem:v15+s10+$0x0], $0xffff;
	[tilespmem:v17+s20+$0x0] =	vst.idx.msk $0xffff, v16  }
0xc1: {  	v10 =	vor.u32 $0x2, v4;
	[tilespmem:v20+s20+$0x0] =	vst.idx.msk $0xffff, v11  }
0xc2: {  	v16 =	vor.u32 $0x3, v6;
	v20 =	vor.u32 $0x705, v0;
	[tilespmem:v31+s20+$0x0] =	vst.idx.msk $0xffff, v21;
	v12 =	vld.idx.msk [tilespmem:v12+s10+$0x0], $0xffff  }
0xc3: {  	[tilespmem:v44+s20+$0x0] =	vst.idx.msk $0xffff, v13;
	v13 =	vor.u32 $0x3, v3;
	v21 =	vld.idx.msk [tilespmem:v22+s10+$0x0], $0xffff  }
0xc4: {  	[tilespmem:v19+s20+$0x0] =	vst.idx.msk $0xffff, v9;
	v14 =	vld.idx.msk [tilespmem:v14+s10+$0x0], $0xffff;
	v22 =	vor.u32 $0x4, v8  }
0xc5: {  	v17 =	vld.idx.msk [tilespmem:v18+s10+$0x0], $0xffff;
	v18 =	vor.u32 $0x505, v0;
	[tilespmem:v57+s20+$0x0] =	vst.idx.msk $0xffff, v15;
	v15 =	vor.u32 $0x4, v7  }
0xc6: {  	v9 =	vor.u32 $0x3, v5;
	v19 =	vor.u32 $0x605, v0;
	v10 =	vld.idx.msk [tilespmem:v10+s10+$0x0], $0xffff  }
0xc7: {  	v11 =	vor.u32 $0x3, v4;
	v16 =	vld.idx.msk [tilespmem:v16+s10+$0x0], $0xffff;
	[tilespmem:v20+s20+$0x0] =	vst.idx.msk $0xffff, v12  }
0xc8: {  	v20 =	vor.u32 $0x706, v0;
	[tilespmem:v32+s20+$0x0] =	vst.idx.msk $0xffff, v21;
	v13 =	vld.idx.msk [tilespmem:v13+s10+$0x0], $0xffff  }
0xc9: {  	[tilespmem:v45+s20+$0x0] =	vst.idx.msk $0xffff, v14;
	v14 =	vor.u32 $0x4, v3;
	v21 =	vld.idx.msk [tilespmem:v22+s10+$0x0], $0xffff  }
0xca: {  	[tilespmem:v18+s20+$0x0] =	vst.idx.msk $0xffff, v17;
	v15 =	vld.idx.msk [tilespmem:v15+s10+$0x0], $0xffff;
	v22 =	vor.u32 $0x5, v8  }
0xcb: {  	v17 =	vor.u32 $0x4, v6;
	v18 =	vor.u32 $0x506, v0;
	v9 =	vld.idx.msk [tilespmem:v9+s10+$0x0], $0xffff;
	[tilespmem:v19+s20+$0x0] =	vst.idx.msk $0xffff, v10  }
0xcc: {  	v10 =	vor.u32 $0x4, v5;
	v19 =	vor.u32 $0x606, v0;
	v11 =	vld.idx.msk [tilespmem:v11+s10+$0x0], $0xffff;
	[tilespmem:v58+s20+$0x0] =	vst.idx.msk $0xffff, v16  }
0xcd: {  	v12 =	vor.u32 $0x4, v4;
	[tilespmem:v20+s20+$0x0] =	vst.idx.msk $0xffff, v13  }
0xce: {  	v16 =	vor.u32 $0x5, v7;
	v20 =	vor.u32 $0x707, v0;
	[tilespmem:v33+s20+$0x0] =	vst.idx.msk $0xffff, v21;
	v14 =	vld.idx.msk [tilespmem:v14+s10+$0x0], $0xffff  }
0xcf: {  	[tilespmem:v46+s20+$0x0] =	vst.idx.msk $0xffff, v15;
	v15 =	vor.u32 $0x5, v3;
	v21 =	vld.idx.msk [tilespmem:v22+s10+$0x0], $0xffff  }
0xd0: {  	v17 =	vld.idx.msk [tilespmem:v17+s10+$0x0], $0xffff;
	[tilespmem:v18+s20+$0x0] =	vst.idx.msk $0xffff, v9;
	v22 =	vor.u32 $0x6, v8  }
0xd1: {  	v18 =	vor.u32 $0x507, v0;
	v10 =	vld.idx.msk [tilespmem:v10+s10+$0x0], $0xffff;
	[tilespmem:v19+s20+$0x0] =	vst.idx.msk $0xffff, v11  }
0xd2: {  	v9 =	vor.u32 $0x5, v6;
	v19 =	vor.u32 $0x607, v0;
	v12 =	vld.idx.msk [tilespmem:v12+s10+$0x0], $0xffff  }
0xd3: {  	v11 =	vor.u32 $0x5, v5;
	v16 =	vld.idx.msk [tilespmem:v16+s10+$0x0], $0xffff;
	[tilespmem:v20+s20+$0x0] =	vst.idx.msk $0xffff, v14  }
0xd4: {  	v13 =	vor.u32 $0x5, v4;
	v20 =	vor.u32 $0x708, v0;
	[tilespmem:v34+s20+$0x0] =	vst.idx.msk $0xffff, v21;
	v15 =	vld.idx.msk [tilespmem:v15+s10+$0x0], $0xffff  }
0xd5: {  	[tilespmem:v59+s20+$0x0] =	vst.idx.msk $0xffff, v17;
	v21 =	vld.idx.msk [tilespmem:v22+s10+$0x0], $0xffff;
	v22 =	vor.u32 $0x6, v3  }
0xd6: {  	v17 =	vor.u32 $0x6, v7;
	[tilespmem:v18+s20+$0x0] =	vst.idx.msk $0xffff, v10  }
0xd7: {  	v9 =	vld.idx.msk [tilespmem:v9+s10+$0x0], $0xffff;
	[tilespmem:v19+s20+$0x0] =	vst.idx.msk $0xffff, v12  }
0xd8: {  	v10 =	vor.u32 $0x6, v6;
	v18 =	vor.u32 $0x508, v0;
	v11 =	vld.idx.msk [tilespmem:v11+s10+$0x0], $0xffff;
	[tilespmem:v47+s20+$0x0] =	vst.idx.msk $0xffff, v16  }
0xd9: {  	v12 =	vor.u32 $0x6, v5;
	v19 =	vor.u32 $0x608, v0;
	v13 =	vld.idx.msk [tilespmem:v13+s10+$0x0], $0xffff;
	[tilespmem:v20+s20+$0x0] =	vst.idx.msk $0xffff, v15  }
0xda: {  	v14 =	vor.u32 $0x6, v4;
	[tilespmem:v35+s20+$0x0] =	vst.idx.msk $0xffff, v21;
	v21 =	vld.idx.msk [tilespmem:v22+s10+$0x0], $0xffff;
	v22 =	vor.u32 $0x709, v0  }
0xdb: {  	v17 =	vld.idx.msk [tilespmem:v17+s10+$0x0], $0xffff;
	v3 =	vor.u32 $0x7, v3  }
0xdc: {  	v1 =	vld [tilespmem:$0x1F38];
	v7 =	vor.u32 $0x7, v7;
	[tilespmem:v60+s20+$0x0] =	vst.idx.msk $0xffff, v9  }
0xdd: {  	v8 =	vor.u32 $0x7, v8;
	v9 =	vld.idx.msk [tilespmem:v10+s10+$0x0], $0xffff;
	[tilespmem:v18+s20+$0x0] =	vst.idx.msk $0xffff, v11  }
0xde: {  	v23 =	vor.u32 $0x509, v0;
	v6 =	vor.u32 $0x7, v6;
	v10 =	vld.idx.msk [tilespmem:v12+s10+$0x0], $0xffff;
	[tilespmem:v19+s20+$0x0] =	vst.idx.msk $0xffff, v13  }
0xdf: {  	v5 =	vor.u32 $0x7, v5;
	v19 =	vor.u32 $0x609, v0;
	v18 =	vld.idx.msk [tilespmem:v14+s10+$0x0], $0xffff;
	[tilespmem:v22+s20+$0x0] =	vst.idx.msk $0xffff, v21  }
0xe0: {  	v4 =	vor.u32 $0x7, v4;
	[tilespmem:v48+s20+$0x0] =	vst.idx.msk $0xffff, v17;
	v15 =	vor.u32 $0x70A, v0;
	v3 =	vld.idx.msk [tilespmem:v3+s10+$0x0], $0xffff  }
0xe1: {  	v7 =	vld.idx.msk [tilespmem:v7+s10+$0x0], $0xffff  }
0xe2: {  	[tilespmem:v61+s20+$0x0] =	vst.idx.msk $0xffff, v9;
	v8 =	vld.idx.msk [tilespmem:v8+s10+$0x0], $0xffff  }
0xe3: {  	v6 =	vld.idx.msk [tilespmem:v6+s10+$0x0], $0xffff;
	[tilespmem:v23+s20+$0x0] =	vst.idx.msk $0xffff, v10  }
0xe4: {  	v23 =	vor.u32 $0x50A, v0;
	v5 =	vld.idx.msk [tilespmem:v5+s10+$0x0], $0xffff;
	[tilespmem:v19+s20+$0x0] =	vst.idx.msk $0xffff, v18  }
0xe5: {  	v13 =	vor.u32 $0x60A, v0;
	v4 =	vld.idx.msk [tilespmem:v4+s10+$0x0], $0xffff;
	[tilespmem:v15+s20+$0x0] =	vst.idx.msk $0xffff, v3  }
0xe6: {  	[tilespmem:v49+s20+$0x0] =	vst.idx.msk $0xffff, v7;
	v19 =	vor.u32 $0x70B, v0;
	v3 =	vld [tilespmem:$0x21A8]  }
0xe7: {  	v7 =	vld [tilespmem:$0x2168];
	[tilespmem:v36+s20+$0x0] =	vst.idx.msk $0xffff, v8  }
0xe8: {  	[tilespmem:v62+s20+$0x0] =	vst.idx.msk $0xffff, v6;
	v16 =	vld [tilespmem:$0x2158]  }
0xe9: {  	v6 =	vld [tilespmem:$0x2178];
	[tilespmem:v23+s20+$0x0] =	vst.idx.msk $0xffff, v5  }
0xea: {  	v5 =	vld [tilespmem:$0x2188];
	[tilespmem:v13+s20+$0x0] =	vst.idx.msk $0xffff, v4  }
0xeb: {  	v17 =	vor.u32 $0x50B, v0;
	[tilespmem:v19+s20+$0x0] =	vst.idx.msk $0xffff, v3;
	v3 =	vld [tilespmem:$0x1FF40]  }
0xec: {  	v18 =	vor.u32 $0x60B, v0;
	v4 =	vld [tilespmem:$0x2198]  }
0xed: {  	v2 =	vld [tilespmem:$0x1F48];
	[tilespmem:v37+s20+$0x0] =	vst.idx.msk $0xffff, v16  }
0xee: {  	[tilespmem:v50+s20+$0x0] =	vst.idx.msk $0xffff, v7;
	v11 =	vld [tilespmem:$0x1F58]  }
0xef: {  	v7 =	vld [tilespmem:$0x1F68];
	[tilespmem:v63+s20+$0x0] =	vst.idx.msk $0xffff, v6  }
0xf0: {  	v6 =	vld [tilespmem:$0x1F78];
	[tilespmem:v17+s20+$0x0] =	vst.idx.msk $0xffff, v5  }
0xf1: {  	v1 =	vcvt.s32.f32 v1;
	v5 =	vld [tilespmem:$0x1F88];
	[tilespmem:v18+s20+$0x0] =	vst.idx.msk $0xffff, v4  }
0xf2: {  	v2 =	vcvt.s32.f32 v2;
	v20 =	vor.u32 $0x40C, v0;
	v21 =	vld [tilespmem:$0x1F98]  }
0xf3: {  	v8 =	vld [tilespmem:$0x1FA8];
	[tilespmem:v3+s20+$0x0] =	vst.idx.msk $0xffff, v1;
	v1 =	vcvt.s32.f32 v11;
	v3 =	vor.u32 $0x50C, v0  }
0xf4: {  	[tilespmem:v25+s20+$0x0] =	vst.idx.msk $0xffff, v2;
	v22 =	vor.u32 $0x60C, v0;
	v2 =	vcvt.s32.f32 v7  }
0xf5: {  	v23 =	vor.u32 $0x70C, v0;
	[tilespmem:v38+s20+$0x0] =	vst.idx.msk $0xffff, v1;
	v1 =	vcvt.s32.f32 v6  }
0xf6: {  	[tilespmem:v51+s20+$0x0] =	vst.idx.msk $0xffff, v2;
	v2 =	vcvt.s32.f32 v5  }
0xf7: {  	[tilespmem:v20+s20+$0x0] =	vst.idx.msk $0xffff, v1;
	v1 =	vcvt.s32.f32 v21  }
0xf8: {  	[tilespmem:v3+s20+$0x0] =	vst.idx.msk $0xffff, v2;
	v2 =	vcvt.s32.f32 v8  }
0xf9: {  	[tilespmem:v22+s20+$0x0] =	vst.idx.msk $0xffff, v1  }
0xfa: {  	s7 =	rddreg [dreg:$0xf];
	[tilespmem:v23+s20+$0x0] =	vst.idx.msk $0xffff, v2  }
0xfb: {  	[hbm4b:s7+s21] =	stream.strided.scatter [tilespmem:s20], [sflag:$0x7], $0x800, s22, s21, $0x38;
	[tilespmem:$0x4338] =	vst v63  }
0xfc: {  	v1 =	vld [tilespmem:$0x1BB8];
	_ =	sdelay $0x4  }
0xfd: {  	v1 =	vshll.u32 v1, $0x3;
	_ =	sdelay $0x4  }
0xfe: {  	v3 =	vor.u32 $0x800, v0;
	v2 =	vld.idx.msk [tilespmem:v1+s9+$0x0], $0xffff  }
0xff: {  	v10 =	vor.u32 $0x1, v1;
	_ =	sdelay $0x3  }
0x100: {  	[tilespmem:v3+s20+$0x0] =	vst.idx.msk $0xffff, v2  }
0x101: {  	v3 =	vor.u32 $0x801, v0;
	v2 =	vld.idx.msk [tilespmem:v10+s9+$0x0], $0xffff  }
0x102: {  	v1 =	vor.u32 $0x2, v1;
	_ =	sdelay $0x3  }
0x103: {  	[tilespmem:v3+s20+$0x0] =	vst.idx.msk $0xffff, v2  }
0x104: {  	v2 =	vor.u32 $0x802, v0;
	v1 =	vld.idx.msk [tilespmem:v1+s9+$0x0], $0xffff;
	_ =	sdelay $0x4  }
0x105: {  	[tilespmem:v2+s20+$0x0] =	vst.idx.msk $0xffff, v1  }
0x106: {  	v1 =	vld [tilespmem:$0x1DB8];
	_ =	sdelay $0x4  }
0x107: {  	v1 =	vmul.u32 $0x18, v1  }
0x108: {  	v2 =	vld [tilespmem:$0x1BC8];
	_ =	sdelay $0x4  }
0x109: {  	v11 =	vor.u32 $0x803, v0;
	v2 =	vshll.u32 v2, $0x3;
	v3 =	vld.idx.msk [tilespmem:v1+s10+$0x0], $0xffff  }
0x10a: {  	v12 =	vor.u32 $0x1, v1;
	_ =	sdelay $0x3  }
0x10b: {  	v15 =	vor.u32 $0x900, v0;
	v6 =	vld.idx.msk [tilespmem:v2+s9+$0x0], $0xffff;
	[tilespmem:v11+s20+$0x0] =	vst.idx.msk $0xffff, v3  }
0x10c: {  	v13 =	vor.u32 $0x804, v0;
	v16 =	vor.u32 $0x1, v2;
	v3 =	vld.idx.msk [tilespmem:v12+s10+$0x0], $0xffff  }
0x10d: {  	v14 =	vor.u32 $0x2, v1;
	_ =	sdelay $0x2  }
0x10e: {  	[tilespmem:v15+s20+$0x0] =	vst.idx.msk $0xffff, v6  }
0x10f: {  	v19 =	vor.u32 $0x901, v0;
	v6 =	vld.idx.msk [tilespmem:v16+s9+$0x0], $0xffff;
	[tilespmem:v13+s20+$0x0] =	vst.idx.msk $0xffff, v3  }
0x110: {  	v17 =	vor.u32 $0x805, v0;
	v2 =	vor.u32 $0x2, v2;
	v3 =	vld.idx.msk [tilespmem:v14+s10+$0x0], $0xffff  }
0x111: {  	v18 =	vor.u32 $0x3, v1;
	_ =	sdelay $0x2  }
0x112: {  	[tilespmem:v19+s20+$0x0] =	vst.idx.msk $0xffff, v6  }
0x113: {  	v22 =	vor.u32 $0x902, v0;
	v2 =	vld.idx.msk [tilespmem:v2+s9+$0x0], $0xffff;
	[tilespmem:v17+s20+$0x0] =	vst.idx.msk $0xffff, v3  }
0x114: {  	v20 =	vor.u32 $0x806, v0;
	v3 =	vld.idx.msk [tilespmem:v18+s10+$0x0], $0xffff  }
0x115: {  	v21 =	vor.u32 $0x4, v1;
	_ =	sdelay $0x2  }
0x116: {  	[tilespmem:v22+s20+$0x0] =	vst.idx.msk $0xffff, v2  }
0x117: {  	v2 =	vld [tilespmem:$0x1DC8];
	[tilespmem:v20+s20+$0x0] =	vst.idx.msk $0xffff, v3  }
0x118: {  	v23 =	vor.u32 $0x807, v0;
	v3 =	vld.idx.msk [tilespmem:v21+s10+$0x0], $0xffff  }
0x119: {  	v8 =	vor.u32 $0x5, v1;
	_ =	sdelay $0x3  }
0x11a: {  	v7 =	vmul.u32 $0x18, v2;
	[tilespmem:v23+s20+$0x0] =	vst.idx.msk $0xffff, v3  }
0x11b: {  	v9 =	vor.u32 $0x808, v0;
	v3 =	vld.idx.msk [tilespmem:v8+s10+$0x0], $0xffff  }
0x11c: {  	v10 =	vor.u32 $0x6, v1;
	_ =	sdelay $0x3  }
0x11d: {  	v12 =	vor.u32 $0x903, v0;
	v11 =	vld.idx.msk [tilespmem:v7+s10+$0x0], $0xffff;
	[tilespmem:v9+s20+$0x0] =	vst.idx.msk $0xffff, v3  }
0x11e: {  	v13 =	vor.u32 $0x1, v7;
	v3 =	vor.u32 $0x809, v0;
	v2 =	vld.idx.msk [tilespmem:v10+s10+$0x0], $0xffff;
	_ =	sdelay $0x2  }
0x11f: {  	v1 =	vor.u32 $0x7, v1;
	v14 =	vld [tilespmem:$0x1BE8]  }
0x120: {  	v16 =	vld [tilespmem:$0x1BF8];
	[tilespmem:v12+s20+$0x0] =	vst.idx.msk $0xffff, v11  }
0x121: {  	[tilespmem:v3+s20+$0x0] =	vst.idx.msk $0xffff, v2;
	v2 =	vld.idx.msk [tilespmem:v13+s10+$0x0], $0xffff  }
0x122: {  	v17 =	vor.u32 $0x904, v0;
	v3 =	vld [tilespmem:$0x1BD8]  }
0x123: {  	v18 =	vld [tilespmem:$0x1C08];
	v19 =	vor.u32 $0x2, v7  }
0x124: {  	v15 =	vor.u32 $0x80A, v0;
	v4 =	vshll.u32 v14, $0x3;
	v1 =	vld.idx.msk [tilespmem:v1+s10+$0x0], $0xffff;
	_ =	sdelay $0x1  }
0x125: {  	v20 =	vld [tilespmem:$0x1C18]  }
0x126: {  	v3 =	vshll.u32 v3, $0x3;
	[tilespmem:v17+s20+$0x0] =	vst.idx.msk $0xffff, v2  }
0x127: {  	v6 =	vor.u32 $0x905, v0;
	v2 =	vshll.u32 v18, $0x3;
	v5 =	vld.idx.msk [tilespmem:v19+s10+$0x0], $0xffff  }
0x128: {  	v14 =	vld.idx.msk [tilespmem:v4+s9+$0x0], $0xffff;
	[tilespmem:v15+s20+$0x0] =	vst.idx.msk $0xffff, v1;
	v1 =	vshll.u32 v16, $0x3;
	v15 =	vor.u32 $0xB00, v0  }
0x129: {  	v16 =	vor.u32 $0x1, v4  }
0x12a: {  	v8 =	vshll.u32 v20, $0x3  }
0x12b: {  	v11 =	vor.u32 $0xA00, v0;
	v9 =	vor.u32 $0x3, v7;
	v10 =	vld.idx.msk [tilespmem:v3+s9+$0x0], $0xffff  }
0x12c: {  	v21 =	vor.u32 $0xD00, v0;
	v13 =	vor.u32 $0x1, v3;
	v20 =	vld.idx.msk [tilespmem:v2+s9+$0x0], $0xffff;
	[tilespmem:v6+s20+$0x0] =	vst.idx.msk $0xffff, v5  }
0x12d: {  	v18 =	vor.u32 $0xC00, v0;
	v17 =	vld.idx.msk [tilespmem:v1+s9+$0x0], $0xffff;
	v5 =	vor.u32 $0x1, v2;
	[tilespmem:v15+s20+$0x0] =	vst.idx.msk $0xffff, v14  }
0x12e: {  	v19 =	vor.u32 $0x1, v1;
	v15 =	vld.idx.msk [tilespmem:v16+s9+$0x0], $0xffff;
	v16 =	vor.u32 $0xB01, v0  }
0x12f: {  	v22 =	vor.u32 $0xE00, v0;
	v4 =	vor.u32 $0x2, v4;
	v6 =	vld.idx.msk [tilespmem:v8+s9+$0x0], $0xffff  }
0x130: {  	v23 =	vor.u32 $0x906, v0;
	v9 =	vld.idx.msk [tilespmem:v9+s10+$0x0], $0xffff;
	[tilespmem:v11+s20+$0x0] =	vst.idx.msk $0xffff, v10;
	v10 =	vor.u32 $0x1, v8  }
0x131: {  	v14 =	vor.u32 $0xA01, v0;
	v11 =	vor.u32 $0x4, v7;
	[tilespmem:v21+s20+$0x0] =	vst.idx.msk $0xffff, v20;
	v13 =	vld.idx.msk [tilespmem:v13+s9+$0x0], $0xffff  }
0x132: {  	v3 =	vor.u32 $0x2, v3;
	v21 =	vor.u32 $0xD01, v0;
	[tilespmem:v18+s20+$0x0] =	vst.idx.msk $0xffff, v17;
	v5 =	vld.idx.msk [tilespmem:v5+s9+$0x0], $0xffff  }
0x133: {  	v18 =	vor.u32 $0xC01, v0;
	v17 =	vld.idx.msk [tilespmem:v19+s9+$0x0], $0xffff;
	[tilespmem:v16+s20+$0x0] =	vst.idx.msk $0xffff, v15  }
0x134: {  	v1 =	vor.u32 $0x2, v1;
	[tilespmem:v22+s20+$0x0] =	vst.idx.msk $0xffff, v6;
	v15 =	vor.u32 $0xB02, v0;
	v4 =	vld.idx.msk [tilespmem:v4+s9+$0x0], $0xffff  }
0x135: {  	v2 =	vor.u32 $0x2, v2;
	[tilespmem:v23+s20+$0x0] =	vst.idx.msk $0xffff, v9;
	v9 =	vor.u32 $0xE01, v0;
	v6 =	vld.idx.msk [tilespmem:v10+s9+$0x0], $0xffff  }
0x136: {  	v22 =	vor.u32 $0x907, v0;
	v10 =	vld.idx.msk [tilespmem:v11+s10+$0x0], $0xffff;
	[tilespmem:v14+s20+$0x0] =	vst.idx.msk $0xffff, v13  }
0x137: {  	v8 =	vor.u32 $0x2, v8;
	v14 =	vor.u32 $0xA02, v0;
	[tilespmem:v21+s20+$0x0] =	vst.idx.msk $0xffff, v5;
	v3 =	vld.idx.msk [tilespmem:v3+s9+$0x0], $0xffff  }
0x138: {  	[tilespmem:v18+s20+$0x0] =	vst.idx.msk $0xffff, v17  }
0x139: {  	v20 =	vor.u32 $0xC02, v0;
	v23 =	vor.u32 $0x5, v7;
	v1 =	vld.idx.msk [tilespmem:v1+s9+$0x0], $0xffff;
	[tilespmem:v15+s20+$0x0] =	vst.idx.msk $0xffff, v4  }
0x13a: {  	v21 =	vor.u32 $0xD02, v0;
	v2 =	vld.idx.msk [tilespmem:v2+s9+$0x0], $0xffff;
	[tilespmem:v9+s20+$0x0] =	vst.idx.msk $0xffff, v6  }
0x13b: {  	v4 =	vld [tilespmem:$0x1DE8];
	[tilespmem:v22+s20+$0x0] =	vst.idx.msk $0xffff, v10  }
0x13c: {  	v22 =	vor.u32 $0xE02, v0;
	v6 =	vld.idx.msk [tilespmem:v8+s9+$0x0], $0xffff;
	[tilespmem:v14+s20+$0x0] =	vst.idx.msk $0xffff, v3  }
0x13d: {  	v3 =	vld [tilespmem:$0x1DD8]  }
0x13e: {  	v23 =	vld.idx.msk [tilespmem:v23+s10+$0x0], $0xffff;
	[tilespmem:v20+s20+$0x0] =	vst.idx.msk $0xffff, v1  }
0x13f: {  	[tilespmem:v21+s20+$0x0] =	vst.idx.msk $0xffff, v2;
	v1 =	vld [tilespmem:$0x1DF8]  }
0x140: {  	v18 =	vor.u32 $0x908, v0;
	v17 =	vld [tilespmem:$0x1E08]  }
0x141: {  	v12 =	vld [tilespmem:$0x21B8];
	v2 =	vor.u32 $0x80B, v0;
	v20 =	vor.u32 $0x6, v7;
	[tilespmem:v22+s20+$0x0] =	vst.idx.msk $0xffff, v6  }
0x142: {  	v19 =	vld [tilespmem:$0x1E18];
	v6 =	vmul.u32 $0x18, v3  }
0x143: {  	v5 =	vmul.u32 $0x18, v4  }
0x144: {  	v4 =	vmul.u32 $0x18, v1  }
0x145: {  	[tilespmem:v18+s20+$0x0] =	vst.idx.msk $0xffff, v23;
	v3 =	vmul.u32 $0x18, v17  }
0x146: {  	v9 =	vor.u32 $0x909, v0;
	[tilespmem:v2+s20+$0x0] =	vst.idx.msk $0xffff, v12;
	v8 =	vld.idx.msk [tilespmem:v20+s10+$0x0], $0xffff  }
0x147: {  	v7 =	vor.u32 $0x7, v7;
	v1 =	vld [tilespmem:$0x1FB8];
	v2 =	vmul.u32 $0x18, v19  }
0x148: {  	v11 =	vor.u32 $0xA03, v0;
	v10 =	vld.idx.msk [tilespmem:v6+s10+$0x0], $0xffff  }
0x149: {  	v14 =	vor.u32 $0xB03, v0;
	v12 =	vor.u32 $0x1, v6;
	v13 =	vld.idx.msk [tilespmem:v5+s10+$0x0], $0xffff  }
0x14a: {  	v15 =	vor.u32 $0x1, v5;
	v17 =	vor.u32 $0xC03, v0;
	v16 =	vld.idx.msk [tilespmem:v4+s10+$0x0], $0xffff  }
0x14b: {  	v20 =	vor.u32 $0xD03, v0;
	v18 =	vor.u32 $0x1, v4;
	[tilespmem:v9+s20+$0x0] =	vst.idx.msk $0xffff, v8;
	v19 =	vld.idx.msk [tilespmem:v3+s10+$0x0], $0xffff  }
0x14c: {  	v8 =	vor.u32 $0x1, v3;
	v7 =	vld.idx.msk [tilespmem:v7+s10+$0x0], $0xffff  }
0x14d: {  	v21 =	vor.u32 $0xE03, v0;
	v9 =	vld.idx.msk [tilespmem:v2+s10+$0x0], $0xffff;
	[tilespmem:v11+s20+$0x0] =	vst.idx.msk $0xffff, v10  }
0x14e: {  	[tilespmem:v14+s20+$0x0] =	vst.idx.msk $0xffff, v13;
	v10 =	vor.u32 $0x1, v2;
	v11 =	vld.idx.msk [tilespmem:v12+s10+$0x0], $0xffff;
	v12 =	vor.u32 $0xA04, v0  }
0x14f: {  	v13 =	vor.u32 $0x2, v6;
	v14 =	vld.idx.msk [tilespmem:v15+s10+$0x0], $0xffff;
	v15 =	vor.u32 $0xB04, v0;
	[tilespmem:v17+s20+$0x0] =	vst.idx.msk $0xffff, v16  }
0x150: {  	[tilespmem:v20+s20+$0x0] =	vst.idx.msk $0xffff, v19;
	v16 =	vor.u32 $0x2, v5;
	v17 =	vld.idx.msk [tilespmem:v18+s10+$0x0], $0xffff;
	v18 =	vor.u32 $0xC04, v0  }
0x151: {  	v19 =	vor.u32 $0x90A, v0;
	v20 =	vor.u32 $0x2, v4;
	v8 =	vld.idx.msk [tilespmem:v8+s10+$0x0], $0xffff  }
0x152: {  	[tilespmem:v21+s20+$0x0] =	vst.idx.msk $0xffff, v9;
	v9 =	vor.u32 $0xD04, v0;
	v21 =	vld [tilespmem:$0x1C28]  }
0x153: {  	v10 =	vld.idx.msk [tilespmem:v10+s10+$0x0], $0xffff;
	[tilespmem:v12+s20+$0x0] =	vst.idx.msk $0xffff, v11;
	v11 =	vor.u32 $0x2, v3;
	v12 =	vor.u32 $0xE04, v0  }
0x154: {  	v22 =	vor.u32 $0xA05, v0;
	[tilespmem:v15+s20+$0x0] =	vst.idx.msk $0xffff, v14;
	v14 =	vor.u32 $0x2, v2;
	v13 =	vld.idx.msk [tilespmem:v13+s10+$0x0], $0xffff  }
0x155: {  	v23 =	vor.u32 $0xB05, v0;
	v15 =	vor.u32 $0x3, v6;
	v16 =	vld.idx.msk [tilespmem:v16+s10+$0x0], $0xffff;
	[tilespmem:v18+s20+$0x0] =	vst.idx.msk $0xffff, v17  }
0x156: {  	[tilespmem:v19+s20+$0x0] =	vst.idx.msk $0xffff, v7;
	v7 =	vor.u32 $0x3, v5;
	v18 =	vor.u32 $0xC05, v0;
	v17 =	vld.idx.msk [tilespmem:v20+s10+$0x0], $0xffff  }
0x157: {  	v19 =	vld [tilespmem:$0x21C8];
	v20 =	vor.u32 $0x3, v4;
	[tilespmem:v9+s20+$0x0] =	vst.idx.msk $0xffff, v8  }
0x158: {  	v9 =	vor.u32 $0xD05, v0;
	v8 =	vld.idx.msk [tilespmem:v11+s10+$0x0], $0xffff;
	[tilespmem:v12+s20+$0x0] =	vst.idx.msk $0xffff, v10;
	v10 =	vshll.u32 v21, $0x3  }
0x159: {  	v11 =	vor.u32 $0x3, v3;
	[tilespmem:v22+s20+$0x0] =	vst.idx.msk $0xffff, v13;
	v12 =	vld.idx.msk [tilespmem:v14+s10+$0x0], $0xffff;
	v13 =	vor.u32 $0xE05, v0  }
0x15a: {  	[tilespmem:v23+s20+$0x0] =	vst.idx.msk $0xffff, v16;
	v16 =	vor.u32 $0x3, v2;
	v14 =	vld.idx.msk [tilespmem:v15+s10+$0x0], $0xffff;
	v15 =	vor.u32 $0xA06, v0  }
0x15b: {  	v21 =	vor.u32 $0x4, v6;
	v7 =	vld.idx.msk [tilespmem:v7+s10+$0x0], $0xffff;
	v22 =	vor.u32 $0xB06, v0;
	[tilespmem:v18+s20+$0x0] =	vst.idx.msk $0xffff, v17  }
0x15c: {  	v17 =	vor.u32 $0x4, v5;
	v18 =	vld.idx.msk [tilespmem:v20+s10+$0x0], $0xffff;
	v20 =	vor.u32 $0xC06, v0  }
0x15d: {  	v23 =	vor.u32 $0x4, v4;
	[tilespmem:v9+s20+$0x0] =	vst.idx.msk $0xffff, v8;
	v8 =	vld.idx.msk [tilespmem:v10+s9+$0x0], $0xffff;
	v9 =	vor.u32 $0xF00, v0  }
0x15e: {  	v11 =	vld.idx.msk [tilespmem:v11+s10+$0x0], $0xffff;
	[tilespmem:v13+s20+$0x0] =	vst.idx.msk $0xffff, v12;
	v12 =	vor.u32 $0xD06, v0;
	v13 =	vor.u32 $0x1, v10  }
0x15f: {  	[tilespmem:v15+s20+$0x0] =	vst.idx.msk $0xffff, v14;
	v14 =	vor.u32 $0x4, v3;
	v15 =	vld.idx.msk [tilespmem:v16+s10+$0x0], $0xffff;
	v16 =	vor.u32 $0xE06, v0  }
0x160: {  	[tilespmem:v22+s20+$0x0] =	vst.idx.msk $0xffff, v7;
	v7 =	vor.u32 $0xA07, v0;
	v22 =	vor.u32 $0x4, v2;
	v21 =	vld.idx.msk [tilespmem:v21+s10+$0x0], $0xffff  }
0x161: {  	v17 =	vld.idx.msk [tilespmem:v17+s10+$0x0], $0xffff;
	[tilespmem:v20+s20+$0x0] =	vst.idx.msk $0xffff, v18;
	v18 =	vor.u32 $0x5, v6;
	v20 =	vor.u32 $0xB07, v0  }
0x162: {  	[tilespmem:v9+s20+$0x0] =	vst.idx.msk $0xffff, v8;
	v8 =	vor.u32 $0x5, v5;
	v9 =	vld.idx.msk [tilespmem:v23+s10+$0x0], $0xffff;
	v23 =	vor.u32 $0xC07, v0  }
0x163: {  	[tilespmem:v12+s20+$0x0] =	vst.idx.msk $0xffff, v11;
	v11 =	vor.u32 $0x5, v4;
	v12 =	vld.idx.msk [tilespmem:v13+s9+$0x0], $0xffff;
	v13 =	vor.u32 $0xF01, v0  }
0x164: {  	v10 =	vor.u32 $0x2, v10;
	v14 =	vld.idx.msk [tilespmem:v14+s10+$0x0], $0xffff;
	[tilespmem:v16+s20+$0x0] =	vst.idx.msk $0xffff, v15;
	v15 =	vor.u32 $0xD07, v0  }
0x165: {  	[tilespmem:v7+s20+$0x0] =	vst.idx.msk $0xffff, v21;
	v7 =	vor.u32 $0x5, v3;
	v16 =	vld.idx.msk [tilespmem:v22+s10+$0x0], $0xffff;
	v21 =	vor.u32 $0xE07, v0  }
0x166: {  	v22 =	vor.u32 $0xA08, v0;
	[tilespmem:v20+s20+$0x0] =	vst.idx.msk $0xffff, v17;
	v17 =	vor.u32 $0x5, v2;
	v18 =	vld.idx.msk [tilespmem:v18+s10+$0x0], $0xffff  }
0x167: {  	v20 =	vor.u32 $0x6, v6;
	v8 =	vld.idx.msk [tilespmem:v8+s10+$0x0], $0xffff;
	[tilespmem:v23+s20+$0x0] =	vst.idx.msk $0xffff, v9;
	v9 =	vor.u32 $0xB08, v0  }
0x168: {  	v23 =	vor.u32 $0x6, v5;
	v11 =	vld.idx.msk [tilespmem:v11+s10+$0x0], $0xffff;
	[tilespmem:v13+s20+$0x0] =	vst.idx.msk $0xffff, v12;
	v12 =	vor.u32 $0xC08, v0  }
0x169: {  	v13 =	vor.u32 $0x6, v4;
	[tilespmem:v15+s20+$0x0] =	vst.idx.msk $0xffff, v14;
	v10 =	vld.idx.msk [tilespmem:v10+s9+$0x0], $0xffff;
	v14 =	vor.u32 $0xF02, v0  }
0x16a: {  	v15 =	vor.u32 $0xD08, v0;
	v7 =	vld.idx.msk [tilespmem:v7+s10+$0x0], $0xffff;
	[tilespmem:v21+s20+$0x0] =	vst.idx.msk $0xffff, v16  }
0x16b: {  	v16 =	vor.u32 $0x6, v3;
	[tilespmem:v22+s20+$0x0] =	vst.idx.msk $0xffff, v18;
	v17 =	vld.idx.msk [tilespmem:v17+s10+$0x0], $0xffff;
	v18 =	vor.u32 $0xE08, v0  }
0x16c: {  	v21 =	vor.u32 $0xA09, v0;
	v20 =	vld.idx.msk [tilespmem:v20+s10+$0x0], $0xffff;
	[tilespmem:v9+s20+$0x0] =	vst.idx.msk $0xffff, v8;
	v8 =	vor.u32 $0x6, v2  }
0x16d: {  	v6 =	vor.u32 $0x7, v6;
	v22 =	vor.u32 $0xB09, v0;
	v9 =	vld.idx.msk [tilespmem:v23+s10+$0x0], $0xffff;
	[tilespmem:v12+s20+$0x0] =	vst.idx.msk $0xffff, v11  }
0x16e: {  	v5 =	vor.u32 $0x7, v5;
	v11 =	vor.u32 $0x90B, v0;
	v12 =	vld.idx.msk [tilespmem:v13+s10+$0x0], $0xffff;
	[tilespmem:v14+s20+$0x0] =	vst.idx.msk $0xffff, v10  }
0x16f: {  	v10 =	vor.u32 $0xC09, v0;
	[tilespmem:v15+s20+$0x0] =	vst.idx.msk $0xffff, v7;
	v7 =	vld [tilespmem:$0x1E28]  }
0x170: {  	v4 =	vor.u32 $0x7, v4;
	v14 =	vor.u32 $0xD09, v0;
	v13 =	vld.idx.msk [tilespmem:v16+s10+$0x0], $0xffff;
	[tilespmem:v18+s20+$0x0] =	vst.idx.msk $0xffff, v17  }
0x171: {  	v3 =	vor.u32 $0x7, v3;
	[tilespmem:v21+s20+$0x0] =	vst.idx.msk $0xffff, v20;
	v8 =	vld.idx.msk [tilespmem:v8+s10+$0x0], $0xffff;
	v21 =	vor.u32 $0xE09, v0  }
0x172: {  	v2 =	vor.u32 $0x7, v2;
	v23 =	vor.u32 $0xA0A, v0;
	v6 =	vld.idx.msk [tilespmem:v6+s10+$0x0], $0xffff;
	[tilespmem:v22+s20+$0x0] =	vst.idx.msk $0xffff, v9  }
0x173: {  	v18 =	vor.u32 $0xB0A, v0;
	[tilespmem:v11+s20+$0x0] =	vst.idx.msk $0xffff, v19;
	v5 =	vld.idx.msk [tilespmem:v5+s10+$0x0], $0xffff  }
0x174: {  	v11 =	vld [tilespmem:$0x1FC8];
	[tilespmem:v10+s20+$0x0] =	vst.idx.msk $0xffff, v12;
	v7 =	vmul.u32 $0x18, v7  }
0x175: {  	v19 =	vor.u32 $0xC0A, v0;
	v4 =	vld.idx.msk [tilespmem:v4+s10+$0x0], $0xffff;
	[tilespmem:v14+s20+$0x0] =	vst.idx.msk $0xffff, v13  }
0x176: {  	v20 =	vor.u32 $0xD0A, v0;
	v3 =	vld.idx.msk [tilespmem:v3+s10+$0x0], $0xffff;
	[tilespmem:v21+s20+$0x0] =	vst.idx.msk $0xffff, v8  }
0x177: {  	[tilespmem:v23+s20+$0x0] =	vst.idx.msk $0xffff, v6;
	v2 =	vld.idx.msk [tilespmem:v2+s10+$0x0], $0xffff;
	v6 =	vor.u32 $0xE0A, v0  }
0x178: {  	v22 =	vor.u32 $0xA0B, v0;
	v21 =	vld [tilespmem:$0x21D8];
	[tilespmem:v18+s20+$0x0] =	vst.idx.msk $0xffff, v5  }
0x179: {  	v23 =	vor.u32 $0xB0B, v0;
	v5 =	vld [tilespmem:$0x21E8]  }
0x17a: {  	v10 =	vor.u32 $0xF03, v0;
	[tilespmem:v19+s20+$0x0] =	vst.idx.msk $0xffff, v4;
	v4 =	vld.idx.msk [tilespmem:v7+s10+$0x0], $0xffff  }
0x17b: {  	v15 =	vor.u32 $0xC0B, v0;
	v14 =	vld [tilespmem:$0x21F8];
	[tilespmem:v20+s20+$0x0] =	vst.idx.msk $0xffff, v3;
	v3 =	vor.u32 $0x1, v7  }
0x17c: {  	v20 =	vor.u32 $0xD0B, v0;
	v12 =	vld [tilespmem:$0x2208];
	[tilespmem:v6+s20+$0x0] =	vst.idx.msk $0xffff, v2  }
0x17d: {  	[tilespmem:v22+s20+$0x0] =	vst.idx.msk $0xffff, v21;
	v2 =	vld [tilespmem:$0x2218];
	v21 =	vor.u32 $0xE0B, v0  }
0x17e: {  	v22 =	vor.u32 $0x80C, v0;
	v13 =	vld [tilespmem:$0x1FD8];
	[tilespmem:v23+s20+$0x0] =	vst.idx.msk $0xffff, v5  }
0x17f: {  	v23 =	vor.u32 $0x90C, v0;
	v9 =	vld [tilespmem:$0x1FE8];
	[tilespmem:v10+s20+$0x0] =	vst.idx.msk $0xffff, v4  }
0x180: {  	[tilespmem:v15+s20+$0x0] =	vst.idx.msk $0xffff, v14;
	v4 =	vor.u32 $0xF04, v0;
	v3 =	vld.idx.msk [tilespmem:v3+s10+$0x0], $0xffff  }
0x181: {  	v1 =	vcvt.s32.f32 v1;
	v10 =	vor.u32 $0xA0C, v0;
	v14 =	vld [tilespmem:$0x1FF8];
	[tilespmem:v20+s20+$0x0] =	vst.idx.msk $0xffff, v12;
	v12 =	vor.u32 $0x2, v7  }
0x182: {  	v11 =	vcvt.s32.f32 v11;
	v20 =	vor.u32 $0xB0C, v0;
	v16 =	vld [tilespmem:$0x2008];
	[tilespmem:v21+s20+$0x0] =	vst.idx.msk $0xffff, v2  }
0x183: {  	[tilespmem:v22+s20+$0x0] =	vst.idx.msk $0xffff, v1;
	v1 =	vor.u32 $0xC0C, v0;
	v2 =	vld [tilespmem:$0x2018]  }
0x184: {  	v22 =	vor.u32 $0xD0C, v0;
	[tilespmem:v23+s20+$0x0] =	vst.idx.msk $0xffff, v11;
	v21 =	vcvt.s32.f32 v13  }
0x185: {  	v13 =	vor.u32 $0xE0C, v0;
	v23 =	vcvt.s32.f32 v9;
	[tilespmem:v4+s20+$0x0] =	vst.idx.msk $0xffff, v3  }
0x186: {  	[tilespmem:v10+s20+$0x0] =	vst.idx.msk $0xffff, v21;
	v3 =	vcvt.s32.f32 v14;
	v14 =	vor.u32 $0xF05, v0;
	v4 =	vld.idx.msk [tilespmem:v12+s10+$0x0], $0xffff  }
0x187: {  	v17 =	vor.u32 $0x3, v7;
	[tilespmem:v20+s20+$0x0] =	vst.idx.msk $0xffff, v23;
	v16 =	vcvt.s32.f32 v16  }
0x188: {  	[tilespmem:v1+s20+$0x0] =	vst.idx.msk $0xffff, v3;
	v1 =	vcvt.s32.f32 v2  }
0x189: {  	[tilespmem:v22+s20+$0x0] =	vst.idx.msk $0xffff, v16  }
0x18a: {  	[tilespmem:v13+s20+$0x0] =	vst.idx.msk $0xffff, v1  }
0x18b: {  	[tilespmem:v14+s20+$0x0] =	vst.idx.msk $0xffff, v4  }
0x18c: {  	v2 =	vor.u32 $0xF06, v0;
	v1 =	vld.idx.msk [tilespmem:v17+s10+$0x0], $0xffff  }
0x18d: {  	v3 =	vor.u32 $0x4, v7;
	_ =	sdelay $0x3  }
0x18e: {  	[tilespmem:v2+s20+$0x0] =	vst.idx.msk $0xffff, v1  }
0x18f: {  	v2 =	vor.u32 $0xF07, v0;
	v1 =	vld.idx.msk [tilespmem:v3+s10+$0x0], $0xffff  }
0x190: {  	v3 =	vor.u32 $0x5, v7;
	_ =	sdelay $0x3  }
0x191: {  	[tilespmem:v2+s20+$0x0] =	vst.idx.msk $0xffff, v1  }
0x192: {  	v2 =	vor.u32 $0xF08, v0;
	v1 =	vld.idx.msk [tilespmem:v3+s10+$0x0], $0xffff  }
0x193: {  	v3 =	vor.u32 $0x6, v7;
	_ =	sdelay $0x3  }
0x194: {  	[tilespmem:v2+s20+$0x0] =	vst.idx.msk $0xffff, v1  }
0x195: {  	v2 =	vor.u32 $0xF09, v0;
	v1 =	vld.idx.msk [tilespmem:v3+s10+$0x0], $0xffff  }
0x196: {  	v3 =	vor.u32 $0x7, v7;
	_ =	sdelay $0x3  }
0x197: {  	[tilespmem:v2+s20+$0x0] =	vst.idx.msk $0xffff, v1  }
0x198: {  	v2 =	vor.u32 $0xF0A, v0;
	v1 =	vld.idx.msk [tilespmem:v3+s10+$0x0], $0xffff;
	_ =	sdelay $0x4  }
0x199: {  	[tilespmem:v2+s20+$0x0] =	vst.idx.msk $0xffff, v1  }
0x19a: {  	v2 =	vor.u32 $0xF0B, v0;
	v1 =	vld [tilespmem:$0x2228];
	_ =	sdelay $0x4  }
0x19b: {  	[tilespmem:v2+s20+$0x0] =	vst.idx.msk $0xffff, v1  }
0x19c: {  	v1 =	vld [tilespmem:$0x2028];
	_ =	sdelay $0x1  }
0x19d: {  	v2 =	vor.u32 $0xF0C, v0;
	_ =	sdelay $0x2  }
0x19e: {  	v1 =	vcvt.s32.f32 v1;
	_ =	sdelay $0x1  }
0x19f: {  	s6 =	rddreg [dreg:$0x10];
	[tilespmem:v2+s20+$0x0] =	vst.idx.msk $0xffff, v1  }
0x1a0: {  	[hbm4b:s6+s21] =	stream.strided.scatter [tilespmem:s23], [sflag:$0x7], $0x800, s22, s21, $0x38;
	[tilespmem:$0x4338] =	vst v63  }
0x1a1: {  	v1 =	vld [tilespmem:$0x1C38];
	_ =	sdelay $0x1  }
0x1a2: {  	v2 =	vld [tilespmem:$0x1C48];
	_ =	sdelay $0x2  }
0x1a3: {  	v1 =	vshll.u32 v1, $0x3;
	_ =	sdelay $0x1  }
0x1a4: {  	v2 =	vshll.u32 v2, $0x3;
	_ =	sdelay $0x2  }
0x1a5: {  	v18 =	vor.u32 $0x1000, v0;
	v3 =	vld.idx.msk [tilespmem:v1+s9+$0x0], $0xffff  }
0x1a6: {  	v19 =	vor.u32 $0x1, v1  }
0x1a7: {  	v21 =	vor.u32 $0x1100, v0;
	v20 =	vld.idx.msk [tilespmem:v2+s9+$0x0], $0xffff  }
0x1a8: {  	v22 =	vor.u32 $0x1, v2;
	_ =	sdelay $0x1  }
0x1a9: {  	[tilespmem:v18+s20+$0x0] =	vst.idx.msk $0xffff, v3  }
0x1aa: {  	v23 =	vor.u32 $0x1001, v0;
	v3 =	vld.idx.msk [tilespmem:v19+s9+$0x0], $0xffff  }
0x1ab: {  	v1 =	vor.u32 $0x2, v1;
	[tilespmem:v21+s20+$0x0] =	vst.idx.msk $0xffff, v20  }
0x1ac: {  	v10 =	vor.u32 $0x1101, v0;
	v9 =	vld.idx.msk [tilespmem:v22+s9+$0x0], $0xffff  }
0x1ad: {  	v2 =	vor.u32 $0x2, v2;
	_ =	sdelay $0x1  }
0x1ae: {  	[tilespmem:v23+s20+$0x0] =	vst.idx.msk $0xffff, v3  }
0x1af: {  	v3 =	vor.u32 $0x1002, v0;
	v1 =	vld.idx.msk [tilespmem:v1+s9+$0x0], $0xffff  }
0x1b0: {  	[tilespmem:v10+s20+$0x0] =	vst.idx.msk $0xffff, v9  }
0x1b1: {  	v11 =	vor.u32 $0x1102, v0;
	v2 =	vld.idx.msk [tilespmem:v2+s9+$0x0], $0xffff;
	_ =	sdelay $0x2  }
0x1b2: {  	[tilespmem:v3+s20+$0x0] =	vst.idx.msk $0xffff, v1  }
0x1b3: {  	v1 =	vld [tilespmem:$0x1E38]  }
0x1b4: {  	[tilespmem:v11+s20+$0x0] =	vst.idx.msk $0xffff, v2  }
0x1b5: {  	v2 =	vld [tilespmem:$0x1E48];
	_ =	sdelay $0x2  }
0x1b6: {  	v1 =	vmul.u32 $0x18, v1;
	_ =	sdelay $0x1  }
0x1b7: {  	v2 =	vmul.u32 $0x18, v2;
	_ =	sdelay $0x3  }
0x1b8: {  	v12 =	vor.u32 $0x1003, v0;
	v3 =	vld.idx.msk [tilespmem:v1+s10+$0x0], $0xffff  }
0x1b9: {  	v13 =	vor.u32 $0x1, v1  }
0x1ba: {  	v14 =	vor.u32 $0x1103, v0;
	v6 =	vld.idx.msk [tilespmem:v2+s10+$0x0], $0xffff  }
0x1bb: {  	v15 =	vor.u32 $0x1, v2;
	_ =	sdelay $0x1  }
0x1bc: {  	[tilespmem:v12+s20+$0x0] =	vst.idx.msk $0xffff, v3  }
0x1bd: {  	v16 =	vor.u32 $0x1004, v0;
	v3 =	vld.idx.msk [tilespmem:v13+s10+$0x0], $0xffff  }
0x1be: {  	v17 =	vor.u32 $0x2, v1;
	[tilespmem:v14+s20+$0x0] =	vst.idx.msk $0xffff, v6  }
0x1bf: {  	v18 =	vor.u32 $0x1104, v0;
	v6 =	vld.idx.msk [tilespmem:v15+s10+$0x0], $0xffff  }
0x1c0: {  	v19 =	vor.u32 $0x2, v2;
	_ =	sdelay $0x1  }
0x1c1: {  	[tilespmem:v16+s20+$0x0] =	vst.idx.msk $0xffff, v3  }
0x1c2: {  	v20 =	vor.u32 $0x1005, v0;
	v3 =	vld.idx.msk [tilespmem:v17+s10+$0x0], $0xffff  }
0x1c3: {  	v21 =	vor.u32 $0x3, v1;
	[tilespmem:v18+s20+$0x0] =	vst.idx.msk $0xffff, v6  }
0x1c4: {  	v22 =	vor.u32 $0x1105, v0;
	v6 =	vld.idx.msk [tilespmem:v19+s10+$0x0], $0xffff  }
0x1c5: {  	v23 =	vor.u32 $0x3, v2;
	_ =	sdelay $0x1  }
0x1c6: {  	[tilespmem:v20+s20+$0x0] =	vst.idx.msk $0xffff, v3  }
0x1c7: {  	v12 =	vor.u32 $0x1006, v0;
	v3 =	vld.idx.msk [tilespmem:v21+s10+$0x0], $0xffff  }
0x1c8: {  	v13 =	vor.u32 $0x4, v1;
	[tilespmem:v22+s20+$0x0] =	vst.idx.msk $0xffff, v6  }
0x1c9: {  	v14 =	vor.u32 $0x1106, v0;
	v6 =	vld.idx.msk [tilespmem:v23+s10+$0x0], $0xffff  }
0x1ca: {  	v15 =	vor.u32 $0x4, v2;
	_ =	sdelay $0x1  }
0x1cb: {  	[tilespmem:v12+s20+$0x0] =	vst.idx.msk $0xffff, v3  }
0x1cc: {  	v16 =	vor.u32 $0x1007, v0;
	v3 =	vld.idx.msk [tilespmem:v13+s10+$0x0], $0xffff  }
0x1cd: {  	v17 =	vor.u32 $0x5, v1;
	[tilespmem:v14+s20+$0x0] =	vst.idx.msk $0xffff, v6  }
0x1ce: {  	v18 =	vor.u32 $0x1107, v0;
	v6 =	vld.idx.msk [tilespmem:v15+s10+$0x0], $0xffff  }
0x1cf: {  	v19 =	vor.u32 $0x5, v2;
	_ =	sdelay $0x1  }
0x1d0: {  	[tilespmem:v16+s20+$0x0] =	vst.idx.msk $0xffff, v3  }
0x1d1: {  	v20 =	vor.u32 $0x1008, v0;
	v3 =	vld.idx.msk [tilespmem:v17+s10+$0x0], $0xffff  }
0x1d2: {  	v21 =	vor.u32 $0x6, v1;
	[tilespmem:v18+s20+$0x0] =	vst.idx.msk $0xffff, v6  }
0x1d3: {  	v22 =	vor.u32 $0x1108, v0;
	v6 =	vld.idx.msk [tilespmem:v19+s10+$0x0], $0xffff  }
0x1d4: {  	v23 =	vor.u32 $0x6, v2;
	_ =	sdelay $0x1  }
0x1d5: {  	v14 =	vld [tilespmem:$0x1C68];
	[tilespmem:v20+s20+$0x0] =	vst.idx.msk $0xffff, v3  }
0x1d6: {  	v11 =	vor.u32 $0x1009, v0;
	v3 =	vld.idx.msk [tilespmem:v21+s10+$0x0], $0xffff  }
0x1d7: {  	[tilespmem:v22+s20+$0x0] =	vst.idx.msk $0xffff, v6  }
0x1d8: {  	v1 =	vor.u32 $0x7, v1;
	v13 =	vor.u32 $0x1109, v0;
	v12 =	vld.idx.msk [tilespmem:v23+s10+$0x0], $0xffff  }
0x1d9: {  	v2 =	vor.u32 $0x7, v2;
	v16 =	vld [tilespmem:$0x1C78]  }
0x1da: {  	v19 =	vld [tilespmem:$0x1C98]  }
0x1db: {  	v4 =	vshll.u32 v14, $0x3;
	[tilespmem:v11+s20+$0x0] =	vst.idx.msk $0xffff, v3;
	v3 =	vld [tilespmem:$0x1C58]  }
0x1dc: {  	v18 =	vld [tilespmem:$0x1C88]  }
0x1dd: {  	v15 =	vor.u32 $0x100A, v0;
	[tilespmem:v13+s20+$0x0] =	vst.idx.msk $0xffff, v12;
	v1 =	vld.idx.msk [tilespmem:v1+s10+$0x0], $0xffff  }
0x1de: {  	v17 =	vor.u32 $0x110A, v0;
	v2 =	vld.idx.msk [tilespmem:v2+s10+$0x0], $0xffff  }
0x1df: {  	v20 =	vld [tilespmem:$0x1CA8];
	v6 =	vshll.u32 v19, $0x3  }
0x1e0: {  	v12 =	vld.idx.msk [tilespmem:v4+s9+$0x0], $0xffff;
	v13 =	vor.u32 $0x1300, v0;
	v3 =	vshll.u32 v3, $0x3  }
0x1e1: {  	v14 =	vor.u32 $0x1, v4  }
0x1e2: {  	[tilespmem:v15+s20+$0x0] =	vst.idx.msk $0xffff, v1;
	v1 =	vshll.u32 v16, $0x3  }
0x1e3: {  	[tilespmem:v17+s20+$0x0] =	vst.idx.msk $0xffff, v2;
	v2 =	vshll.u32 v18, $0x3  }
0x1e4: {  	v21 =	vld.idx.msk [tilespmem:v6+s9+$0x0], $0xffff  }
0x1e5: {  	v8 =	vor.u32 $0x1200, v0;
	v9 =	vshll.u32 v20, $0x3;
	[tilespmem:v13+s20+$0x0] =	vst.idx.msk $0xffff, v12;
	v7 =	vld.idx.msk [tilespmem:v3+s9+$0x0], $0xffff  }
0x1e6: {  	v10 =	vor.u32 $0x1, v3;
	v14 =	vld.idx.msk [tilespmem:v14+s9+$0x0], $0xffff  }
0x1e7: {  	v16 =	vor.u32 $0x1400, v0;
	v15 =	vld.idx.msk [tilespmem:v1+s9+$0x0], $0xffff  }
0x1e8: {  	v19 =	vor.u32 $0x1500, v0;
	v17 =	vor.u32 $0x1, v1;
	v18 =	vld.idx.msk [tilespmem:v2+s9+$0x0], $0xffff  }
0x1e9: {  	v22 =	vor.u32 $0x1600, v0;
	v5 =	vld [tilespmem:$0x2238];
	v20 =	vor.u32 $0x1, v2  }
0x1ea: {  	v23 =	vor.u32 $0x1700, v0;
	[tilespmem:v8+s20+$0x0] =	vst.idx.msk $0xffff, v7;
	v7 =	vor.u32 $0x1, v6;
	v8 =	vld.idx.msk [tilespmem:v9+s9+$0x0], $0xffff  }
0x1eb: {  	v12 =	vor.u32 $0x1201, v0;
	v13 =	vor.u32 $0x1, v9;
	v10 =	vld.idx.msk [tilespmem:v10+s9+$0x0], $0xffff  }
0x1ec: {  	v11 =	vld [tilespmem:$0x2248];
	v3 =	vor.u32 $0x2, v3;
	[tilespmem:v16+s20+$0x0] =	vst.idx.msk $0xffff, v15;
	v15 =	vor.u32 $0x1301, v0  }
0x1ed: {  	v4 =	vor.u32 $0x2, v4;
	[tilespmem:v19+s20+$0x0] =	vst.idx.msk $0xffff, v18;
	v16 =	vld.idx.msk [tilespmem:v17+s9+$0x0], $0xffff;
	v17 =	vor.u32 $0x1401, v0  }
0x1ee: {  	[tilespmem:v22+s20+$0x0] =	vst.idx.msk $0xffff, v21;
	v1 =	vor.u32 $0x2, v1;
	v19 =	vor.u32 $0x1501, v0;
	v18 =	vld.idx.msk [tilespmem:v20+s9+$0x0], $0xffff  }
0x1ef: {  	v2 =	vor.u32 $0x2, v2;
	v20 =	vor.u32 $0x1601, v0;
	v7 =	vld.idx.msk [tilespmem:v7+s9+$0x0], $0xffff;
	[tilespmem:v23+s20+$0x0] =	vst.idx.msk $0xffff, v8  }
0x1f0: {  	v6 =	vor.u32 $0x2, v6;
	[tilespmem:v12+s20+$0x0] =	vst.idx.msk $0xffff, v10;
	v8 =	vld.idx.msk [tilespmem:v13+s9+$0x0], $0xffff;
	v10 =	vor.u32 $0x1701, v0  }
0x1f1: {  	v9 =	vor.u32 $0x2, v9;
	v12 =	vor.u32 $0x1202, v0;
	[tilespmem:v15+s20+$0x0] =	vst.idx.msk $0xffff, v14;
	v3 =	vld.idx.msk [tilespmem:v3+s9+$0x0], $0xffff  }
0x1f2: {  	v13 =	vor.u32 $0x1302, v0;
	v4 =	vld.idx.msk [tilespmem:v4+s9+$0x0], $0xffff;
	[tilespmem:v17+s20+$0x0] =	vst.idx.msk $0xffff, v16  }
0x1f3: {  	v21 =	vor.u32 $0x1402, v0;
	[tilespmem:v19+s20+$0x0] =	vst.idx.msk $0xffff, v18;
	v1 =	vld.idx.msk [tilespmem:v1+s9+$0x0], $0xffff  }
0x1f4: {  	v22 =	vor.u32 $0x1502, v0;
	v2 =	vld.idx.msk [tilespmem:v2+s9+$0x0], $0xffff;
	[tilespmem:v20+s20+$0x0] =	vst.idx.msk $0xffff, v7  }
0x1f5: {  	v23 =	vor.u32 $0x1602, v0;
	v6 =	vld.idx.msk [tilespmem:v6+s9+$0x0], $0xffff;
	[tilespmem:v10+s20+$0x0] =	vst.idx.msk $0xffff, v8  }
0x1f6: {  	v16 =	vor.u32 $0x1702, v0;
	[tilespmem:v12+s20+$0x0] =	vst.idx.msk $0xffff, v3;
	v3 =	vld.idx.msk [tilespmem:v9+s9+$0x0], $0xffff  }
0x1f7: {  	[tilespmem:v13+s20+$0x0] =	vst.idx.msk $0xffff, v4;
	v17 =	vld [tilespmem:$0x1E58]  }
0x1f8: {  	v4 =	vld [tilespmem:$0x1E68];
	[tilespmem:v21+s20+$0x0] =	vst.idx.msk $0xffff, v1  }
0x1f9: {  	[tilespmem:v22+s20+$0x0] =	vst.idx.msk $0xffff, v2;
	v1 =	vld [tilespmem:$0x1E78]  }
0x1fa: {  	v2 =	vor.u32 $0x100B, v0;
	v18 =	vld [tilespmem:$0x1E88];
	[tilespmem:v23+s20+$0x0] =	vst.idx.msk $0xffff, v6  }
0x1fb: {  	v19 =	vor.u32 $0x110B, v0;
	v20 =	vld [tilespmem:$0x1E98];
	[tilespmem:v16+s20+$0x0] =	vst.idx.msk $0xffff, v3  }
0x1fc: {  	v8 =	vmul.u32 $0x18, v17;
	v3 =	vld [tilespmem:$0x1EA8]  }
0x1fd: {  	v7 =	vmul.u32 $0x18, v4  }
0x1fe: {  	v6 =	vmul.u32 $0x18, v1  }
0x1ff: {  	[tilespmem:v2+s20+$0x0] =	vst.idx.msk $0xffff, v5;
	v5 =	vmul.u32 $0x18, v18  }
0x200: {  	[tilespmem:v19+s20+$0x0] =	vst.idx.msk $0xffff, v11;
	v2 =	vld [tilespmem:$0x2038];
	v4 =	vmul.u32 $0x18, v20  }
0x201: {  	v1 =	vld [tilespmem:$0x2048];
	v3 =	vmul.u32 $0x18, v3  }
0x202: {  	v10 =	vor.u32 $0x1203, v0;
	v9 =	vld.idx.msk [tilespmem:v8+s10+$0x0], $0xffff  }
0x203: {  	v13 =	vor.u32 $0x1303, v0;
	v11 =	vor.u32 $0x1, v8;
	v12 =	vld.idx.msk [tilespmem:v7+s10+$0x0], $0xffff  }
0x204: {  	v16 =	vor.u32 $0x1403, v0;
	v14 =	vor.u32 $0x1, v7;
	v15 =	vld.idx.msk [tilespmem:v6+s10+$0x0], $0xffff  }
0x205: {  	v19 =	vor.u32 $0x1503, v0;
	v17 =	vor.u32 $0x1, v6;
	v18 =	vld.idx.msk [tilespmem:v5+s10+$0x0], $0xffff  }
0x206: {  	v22 =	vor.u32 $0x1603, v0;
	v20 =	vor.u32 $0x1, v5;
	v21 =	vld.idx.msk [tilespmem:v4+s10+$0x0], $0xffff  }
0x207: {  	v23 =	vor.u32 $0x1703, v0;
	[tilespmem:v10+s20+$0x0] =	vst.idx.msk $0xffff, v9;
	v9 =	vor.u32 $0x1, v4;
	v10 =	vld.idx.msk [tilespmem:v3+s10+$0x0], $0xffff  }
0x208: {  	[tilespmem:v13+s20+$0x0] =	vst.idx.msk $0xffff, v12;
	v12 =	vor.u32 $0x1204, v0;
	v13 =	vor.u32 $0x1, v3;
	v11 =	vld.idx.msk [tilespmem:v11+s10+$0x0], $0xffff  }
0x209: {  	[tilespmem:v16+s20+$0x0] =	vst.idx.msk $0xffff, v15;
	v15 =	vor.u32 $0x2, v8;
	v14 =	vld.idx.msk [tilespmem:v14+s10+$0x0], $0xffff;
	v16 =	vor.u32 $0x1304, v0  }
0x20a: {  	[tilespmem:v19+s20+$0x0] =	vst.idx.msk $0xffff, v18;
	v18 =	vor.u32 $0x2, v7;
	v19 =	vor.u32 $0x1404, v0;
	v17 =	vld.idx.msk [tilespmem:v17+s10+$0x0], $0xffff  }
0x20b: {  	v20 =	vld.idx.msk [tilespmem:v20+s10+$0x0], $0xffff;
	[tilespmem:v22+s20+$0x0] =	vst.idx.msk $0xffff, v21;
	v21 =	vor.u32 $0x2, v6;
	v22 =	vor.u32 $0x1504, v0  }
0x20c: {  	[tilespmem:v23+s20+$0x0] =	vst.idx.msk $0xffff, v10;
	v10 =	vor.u32 $0x2, v5;
	v9 =	vld.idx.msk [tilespmem:v9+s10+$0x0], $0xffff;
	v23 =	vor.u32 $0x1604, v0  }
0x20d: {  	[tilespmem:v12+s20+$0x0] =	vst.idx.msk $0xffff, v11;
	v11 =	vor.u32 $0x2, v4;
	v12 =	vld.idx.msk [tilespmem:v13+s10+$0x0], $0xffff;
	v13 =	vor.u32 $0x1704, v0  }
0x20e: {  	[tilespmem:v16+s20+$0x0] =	vst.idx.msk $0xffff, v14;
	v14 =	vor.u32 $0x1205, v0;
	v16 =	vor.u32 $0x2, v3;
	v15 =	vld.idx.msk [tilespmem:v15+s10+$0x0], $0xffff  }
0x20f: {  	[tilespmem:v19+s20+$0x0] =	vst.idx.msk $0xffff, v17;
	v17 =	vor.u32 $0x3, v8;
	v18 =	vld.idx.msk [tilespmem:v18+s10+$0x0], $0xffff;
	v19 =	vor.u32 $0x1305, v0  }
0x210: {  	[tilespmem:v22+s20+$0x0] =	vst.idx.msk $0xffff, v20;
	v20 =	vor.u32 $0x3, v7;
	v21 =	vld.idx.msk [tilespmem:v21+s10+$0x0], $0xffff;
	v22 =	vor.u32 $0x1405, v0  }
0x211: {  	[tilespmem:v23+s20+$0x0] =	vst.idx.msk $0xffff, v9;
	v9 =	vor.u32 $0x3, v6;
	v10 =	vld.idx.msk [tilespmem:v10+s10+$0x0], $0xffff;
	v23 =	vor.u32 $0x1505, v0  }
0x212: {  	[tilespmem:v13+s20+$0x0] =	vst.idx.msk $0xffff, v12;
	v12 =	vor.u32 $0x3, v5;
	v11 =	vld.idx.msk [tilespmem:v11+s10+$0x0], $0xffff;
	v13 =	vor.u32 $0x1605, v0  }
0x213: {  	[tilespmem:v14+s20+$0x0] =	vst.idx.msk $0xffff, v15;
	v14 =	vor.u32 $0x3, v4;
	v15 =	vld.idx.msk [tilespmem:v16+s10+$0x0], $0xffff;
	v16 =	vor.u32 $0x1705, v0  }
0x214: {  	[tilespmem:v19+s20+$0x0] =	vst.idx.msk $0xffff, v18;
	v18 =	vor.u32 $0x1206, v0;
	v19 =	vor.u32 $0x3, v3;
	v17 =	vld.idx.msk [tilespmem:v17+s10+$0x0], $0xffff  }
0x215: {  	[tilespmem:v22+s20+$0x0] =	vst.idx.msk $0xffff, v21;
	v21 =	vor.u32 $0x4, v8;
	v20 =	vld.idx.msk [tilespmem:v20+s10+$0x0], $0xffff;
	v22 =	vor.u32 $0x1306, v0  }
0x216: {  	[tilespmem:v23+s20+$0x0] =	vst.idx.msk $0xffff, v10;
	v10 =	vor.u32 $0x4, v7;
	v9 =	vld.idx.msk [tilespmem:v9+s10+$0x0], $0xffff;
	v23 =	vor.u32 $0x1406, v0  }
0x217: {  	[tilespmem:v13+s20+$0x0] =	vst.idx.msk $0xffff, v11;
	v11 =	vor.u32 $0x4, v6;
	v12 =	vld.idx.msk [tilespmem:v12+s10+$0x0], $0xffff;
	v13 =	vor.u32 $0x1506, v0  }
0x218: {  	[tilespmem:v16+s20+$0x0] =	vst.idx.msk $0xffff, v15;
	v15 =	vor.u32 $0x4, v5;
	v14 =	vld.idx.msk [tilespmem:v14+s10+$0x0], $0xffff;
	v16 =	vor.u32 $0x1606, v0  }
0x219: {  	[tilespmem:v18+s20+$0x0] =	vst.idx.msk $0xffff, v17;
	v17 =	vor.u32 $0x4, v4;
	v18 =	vld.idx.msk [tilespmem:v19+s10+$0x0], $0xffff;
	v19 =	vor.u32 $0x1706, v0  }
0x21a: {  	v21 =	vld.idx.msk [tilespmem:v21+s10+$0x0], $0xffff;
	[tilespmem:v22+s20+$0x0] =	vst.idx.msk $0xffff, v20;
	v20 =	vor.u32 $0x1207, v0;
	v22 =	vor.u32 $0x4, v3  }
0x21b: {  	[tilespmem:v23+s20+$0x0] =	vst.idx.msk $0xffff, v9;
	v9 =	vor.u32 $0x5, v8;
	v10 =	vld.idx.msk [tilespmem:v10+s10+$0x0], $0xffff;
	v23 =	vor.u32 $0x1307, v0  }
0x21c: {  	[tilespmem:v13+s20+$0x0] =	vst.idx.msk $0xffff, v12;
	v12 =	vor.u32 $0x5, v7;
	v11 =	vld.idx.msk [tilespmem:v11+s10+$0x0], $0xffff;
	v13 =	vor.u32 $0x1407, v0  }
0x21d: {  	[tilespmem:v16+s20+$0x0] =	vst.idx.msk $0xffff, v14;
	v14 =	vor.u32 $0x5, v6;
	v15 =	vld.idx.msk [tilespmem:v15+s10+$0x0], $0xffff;
	v16 =	vor.u32 $0x1507, v0  }
0x21e: {  	[tilespmem:v19+s20+$0x0] =	vst.idx.msk $0xffff, v18;
	v18 =	vor.u32 $0x5, v5;
	v17 =	vld.idx.msk [tilespmem:v17+s10+$0x0], $0xffff;
	v19 =	vor.u32 $0x1607, v0  }
0x21f: {  	[tilespmem:v20+s20+$0x0] =	vst.idx.msk $0xffff, v21;
	v20 =	vor.u32 $0x5, v4;
	v21 =	vld.idx.msk [tilespmem:v22+s10+$0x0], $0xffff;
	v22 =	vor.u32 $0x1707, v0  }
0x220: {  	v9 =	vld.idx.msk [tilespmem:v9+s10+$0x0], $0xffff;
	[tilespmem:v23+s20+$0x0] =	vst.idx.msk $0xffff, v10;
	v10 =	vor.u32 $0x1208, v0;
	v23 =	vor.u32 $0x5, v3  }
0x221: {  	[tilespmem:v13+s20+$0x0] =	vst.idx.msk $0xffff, v11;
	v11 =	vor.u32 $0x6, v8;
	v12 =	vld.idx.msk [tilespmem:v12+s10+$0x0], $0xffff;
	v13 =	vor.u32 $0x1308, v0  }
0x222: {  	[tilespmem:v16+s20+$0x0] =	vst.idx.msk $0xffff, v15;
	v15 =	vor.u32 $0x6, v7;
	v14 =	vld.idx.msk [tilespmem:v14+s10+$0x0], $0xffff;
	v16 =	vor.u32 $0x1408, v0  }
0x223: {  	[tilespmem:v19+s20+$0x0] =	vst.idx.msk $0xffff, v17;
	v17 =	vor.u32 $0x6, v6;
	v18 =	vld.idx.msk [tilespmem:v18+s10+$0x0], $0xffff;
	v19 =	vor.u32 $0x1508, v0  }
0x224: {  	[tilespmem:v22+s20+$0x0] =	vst.idx.msk $0xffff, v21;
	v21 =	vor.u32 $0x6, v5;
	v20 =	vld.idx.msk [tilespmem:v20+s10+$0x0], $0xffff;
	v22 =	vor.u32 $0x1608, v0  }
0x225: {  	[tilespmem:v10+s20+$0x0] =	vst.idx.msk $0xffff, v9;
	v9 =	vor.u32 $0x6, v4;
	v10 =	vld.idx.msk [tilespmem:v23+s10+$0x0], $0xffff;
	v23 =	vor.u32 $0x1708, v0  }
0x226: {  	v11 =	vld.idx.msk [tilespmem:v11+s10+$0x0], $0xffff;
	[tilespmem:v13+s20+$0x0] =	vst.idx.msk $0xffff, v12;
	v12 =	vor.u32 $0x1209, v0;
	v13 =	vor.u32 $0x6, v3  }
0x227: {  	v8 =	vor.u32 $0x7, v8;
	v15 =	vld.idx.msk [tilespmem:v15+s10+$0x0], $0xffff;
	[tilespmem:v16+s20+$0x0] =	vst.idx.msk $0xffff, v14;
	v14 =	vor.u32 $0x1309, v0  }
0x228: {  	v7 =	vor.u32 $0x7, v7;
	v16 =	vld.idx.msk [tilespmem:v17+s10+$0x0], $0xffff;
	v17 =	vor.u32 $0x1409, v0;
	[tilespmem:v19+s20+$0x0] =	vst.idx.msk $0xffff, v18  }
0x229: {  	v6 =	vor.u32 $0x7, v6;
	v19 =	vor.u32 $0x1509, v0;
	v18 =	vld.idx.msk [tilespmem:v21+s10+$0x0], $0xffff;
	[tilespmem:v22+s20+$0x0] =	vst.idx.msk $0xffff, v20  }
0x22a: {  	v5 =	vor.u32 $0x7, v5;
	v20 =	vor.u32 $0x1609, v0;
	v9 =	vld.idx.msk [tilespmem:v9+s10+$0x0], $0xffff;
	[tilespmem:v23+s20+$0x0] =	vst.idx.msk $0xffff, v10  }
0x22b: {  	v4 =	vor.u32 $0x7, v4;
	v21 =	vor.u32 $0x1709, v0;
	[tilespmem:v12+s20+$0x0] =	vst.idx.msk $0xffff, v11;
	v10 =	vld.idx.msk [tilespmem:v13+s10+$0x0], $0xffff  }
0x22c: {  	v3 =	vor.u32 $0x7, v3;
	v22 =	vor.u32 $0x120A, v0;
	v8 =	vld.idx.msk [tilespmem:v8+s10+$0x0], $0xffff;
	[tilespmem:v14+s20+$0x0] =	vst.idx.msk $0xffff, v15  }
0x22d: {  	v23 =	vor.u32 $0x130A, v0;
	v7 =	vld.idx.msk [tilespmem:v7+s10+$0x0], $0xffff;
	[tilespmem:v17+s20+$0x0] =	vst.idx.msk $0xffff, v16  }
0x22e: {  	v14 =	vor.u32 $0x140A, v0;
	v6 =	vld.idx.msk [tilespmem:v6+s10+$0x0], $0xffff;
	[tilespmem:v19+s20+$0x0] =	vst.idx.msk $0xffff, v18  }
0x22f: {  	v18 =	vor.u32 $0x150A, v0;
	v5 =	vld.idx.msk [tilespmem:v5+s10+$0x0], $0xffff;
	[tilespmem:v20+s20+$0x0] =	vst.idx.msk $0xffff, v9  }
0x230: {  	v19 =	vor.u32 $0x160A, v0;
	v4 =	vld.idx.msk [tilespmem:v4+s10+$0x0], $0xffff;
	[tilespmem:v21+s20+$0x0] =	vst.idx.msk $0xffff, v10  }
0x231: {  	v20 =	vor.u32 $0x170A, v0;
	[tilespmem:v22+s20+$0x0] =	vst.idx.msk $0xffff, v8;
	v3 =	vld.idx.msk [tilespmem:v3+s10+$0x0], $0xffff  }
0x232: {  	v22 =	vor.u32 $0x120B, v0;
	v21 =	vld [tilespmem:$0x2258];
	[tilespmem:v23+s20+$0x0] =	vst.idx.msk $0xffff, v7  }
0x233: {  	v23 =	vor.u32 $0x130B, v0;
	v7 =	vld [tilespmem:$0x2268];
	[tilespmem:v14+s20+$0x0] =	vst.idx.msk $0xffff, v6  }
0x234: {  	v16 =	vor.u32 $0x140B, v0;
	v6 =	vld [tilespmem:$0x2278];
	[tilespmem:v18+s20+$0x0] =	vst.idx.msk $0xffff, v5  }
0x235: {  	v17 =	vor.u32 $0x150B, v0;
	v5 =	vld [tilespmem:$0x2288];
	[tilespmem:v19+s20+$0x0] =	vst.idx.msk $0xffff, v4  }
0x236: {  	v18 =	vor.u32 $0x160B, v0;
	v4 =	vld [tilespmem:$0x2298];
	[tilespmem:v20+s20+$0x0] =	vst.idx.msk $0xffff, v3  }
0x237: {  	v19 =	vor.u32 $0x170B, v0;
	[tilespmem:v22+s20+$0x0] =	vst.idx.msk $0xffff, v21;
	v3 =	vld [tilespmem:$0x22A8]  }
0x238: {  	v20 =	vor.u32 $0x100C, v0;
	v11 =	vld [tilespmem:$0x2058];
	[tilespmem:v23+s20+$0x0] =	vst.idx.msk $0xffff, v7  }
0x239: {  	v21 =	vor.u32 $0x110C, v0;
	v12 =	vld [tilespmem:$0x2068];
	[tilespmem:v16+s20+$0x0] =	vst.idx.msk $0xffff, v6  }
0x23a: {  	v22 =	vor.u32 $0x120C, v0;
	v13 =	vld [tilespmem:$0x2078];
	[tilespmem:v17+s20+$0x0] =	vst.idx.msk $0xffff, v5  }
0x23b: {  	v2 =	vcvt.s32.f32 v2;
	v23 =	vor.u32 $0x130C, v0;
	v14 =	vld [tilespmem:$0x2088];
	[tilespmem:v18+s20+$0x0] =	vst.idx.msk $0xffff, v4  }
0x23c: {  	v1 =	vcvt.s32.f32 v1;
	v16 =	vor.u32 $0x140C, v0;
	v9 =	vld [tilespmem:$0x2098];
	[tilespmem:v19+s20+$0x0] =	vst.idx.msk $0xffff, v3  }
0x23d: {  	[tilespmem:v20+s20+$0x0] =	vst.idx.msk $0xffff, v2;
	v3 =	vor.u32 $0x150C, v0;
	v2 =	vcvt.s32.f32 v11;
	v8 =	vld [tilespmem:$0x20A8]  }
0x23e: {  	v17 =	vor.u32 $0x160C, v0;
	[tilespmem:v21+s20+$0x0] =	vst.idx.msk $0xffff, v1;
	v1 =	vcvt.s32.f32 v12  }
0x23f: {  	v18 =	vor.u32 $0x170C, v0;
	[tilespmem:v22+s20+$0x0] =	vst.idx.msk $0xffff, v2;
	v2 =	vcvt.s32.f32 v13  }
0x240: {  	[tilespmem:v23+s20+$0x0] =	vst.idx.msk $0xffff, v1;
	v1 =	vcvt.s32.f32 v14  }
0x241: {  	[tilespmem:v16+s20+$0x0] =	vst.idx.msk $0xffff, v2;
	v2 =	vcvt.s32.f32 v9  }
0x242: {  	[tilespmem:v3+s20+$0x0] =	vst.idx.msk $0xffff, v1;
	v1 =	vcvt.s32.f32 v8  }
0x243: {  	[tilespmem:v17+s20+$0x0] =	vst.idx.msk $0xffff, v2  }
0x244: {  	s7 =	rddreg [dreg:$0x11];
	[tilespmem:v18+s20+$0x0] =	vst.idx.msk $0xffff, v1  }
0x245: {  	[hbm4b:s7+s21] =	stream.strided.scatter [tilespmem:s24], [sflag:$0x7], $0x800, s22, s21, $0x38;
	[tilespmem:$0x4338] =	vst v63  }
0x246: {  	v1 =	vld [tilespmem:$0x1CB8];
	_ =	sdelay $0x1  }
0x247: {  	v2 =	vld [tilespmem:$0x1CC8];
	_ =	sdelay $0x2  }
0x248: {  	v1 =	vshll.u32 v1, $0x3;
	_ =	sdelay $0x1  }
0x249: {  	v2 =	vshll.u32 v2, $0x3;
	_ =	sdelay $0x2  }
0x24a: {  	v19 =	vor.u32 $0x1800, v0;
	v3 =	vld.idx.msk [tilespmem:v1+s9+$0x0], $0xffff  }
0x24b: {  	v20 =	vor.u32 $0x1, v1  }
0x24c: {  	v21 =	vor.u32 $0x1900, v0;
	v6 =	vld.idx.msk [tilespmem:v2+s9+$0x0], $0xffff  }
0x24d: {  	v22 =	vor.u32 $0x1, v2;
	_ =	sdelay $0x1  }
0x24e: {  	[tilespmem:v19+s20+$0x0] =	vst.idx.msk $0xffff, v3  }
0x24f: {  	v23 =	vor.u32 $0x1801, v0;
	v3 =	vld.idx.msk [tilespmem:v20+s9+$0x0], $0xffff  }
0x250: {  	v1 =	vor.u32 $0x2, v1;
	[tilespmem:v21+s20+$0x0] =	vst.idx.msk $0xffff, v6  }
0x251: {  	v10 =	vor.u32 $0x1901, v0;
	v9 =	vld.idx.msk [tilespmem:v22+s9+$0x0], $0xffff  }
0x252: {  	v2 =	vor.u32 $0x2, v2;
	_ =	sdelay $0x1  }
0x253: {  	[tilespmem:v23+s20+$0x0] =	vst.idx.msk $0xffff, v3  }
0x254: {  	v3 =	vor.u32 $0x1802, v0;
	v1 =	vld.idx.msk [tilespmem:v1+s9+$0x0], $0xffff  }
0x255: {  	[tilespmem:v10+s20+$0x0] =	vst.idx.msk $0xffff, v9  }
0x256: {  	v11 =	vor.u32 $0x1902, v0;
	v2 =	vld.idx.msk [tilespmem:v2+s9+$0x0], $0xffff;
	_ =	sdelay $0x2  }
0x257: {  	[tilespmem:v3+s20+$0x0] =	vst.idx.msk $0xffff, v1  }
0x258: {  	v1 =	vld [tilespmem:$0x1EB8]  }
0x259: {  	[tilespmem:v11+s20+$0x0] =	vst.idx.msk $0xffff, v2  }
0x25a: {  	v2 =	vld [tilespmem:$0x1EC8];
	_ =	sdelay $0x2  }
0x25b: {  	v1 =	vmul.u32 $0x18, v1;
	_ =	sdelay $0x1  }
0x25c: {  	v2 =	vmul.u32 $0x18, v2;
	_ =	sdelay $0x3  }
0x25d: {  	v12 =	vor.u32 $0x1803, v0;
	v3 =	vld.idx.msk [tilespmem:v1+s10+$0x0], $0xffff  }
0x25e: {  	v13 =	vor.u32 $0x1, v1  }
0x25f: {  	v14 =	vor.u32 $0x1903, v0;
	v6 =	vld.idx.msk [tilespmem:v2+s10+$0x0], $0xffff  }
0x260: {  	v15 =	vor.u32 $0x1, v2;
	_ =	sdelay $0x1  }
0x261: {  	[tilespmem:v12+s20+$0x0] =	vst.idx.msk $0xffff, v3  }
0x262: {  	v16 =	vor.u32 $0x1804, v0;
	v3 =	vld.idx.msk [tilespmem:v13+s10+$0x0], $0xffff  }
0x263: {  	v17 =	vor.u32 $0x2, v1;
	[tilespmem:v14+s20+$0x0] =	vst.idx.msk $0xffff, v6  }
0x264: {  	v18 =	vor.u32 $0x1904, v0;
	v6 =	vld.idx.msk [tilespmem:v15+s10+$0x0], $0xffff  }
0x265: {  	v19 =	vor.u32 $0x2, v2;
	_ =	sdelay $0x1  }
0x266: {  	[tilespmem:v16+s20+$0x0] =	vst.idx.msk $0xffff, v3  }
0x267: {  	v20 =	vor.u32 $0x1805, v0;
	v3 =	vld.idx.msk [tilespmem:v17+s10+$0x0], $0xffff  }
0x268: {  	v21 =	vor.u32 $0x3, v1;
	[tilespmem:v18+s20+$0x0] =	vst.idx.msk $0xffff, v6  }
0x269: {  	v22 =	vor.u32 $0x1905, v0;
	v6 =	vld.idx.msk [tilespmem:v19+s10+$0x0], $0xffff  }
0x26a: {  	v23 =	vor.u32 $0x3, v2;
	_ =	sdelay $0x1  }
0x26b: {  	[tilespmem:v20+s20+$0x0] =	vst.idx.msk $0xffff, v3  }
0x26c: {  	v12 =	vor.u32 $0x1806, v0;
	v3 =	vld.idx.msk [tilespmem:v21+s10+$0x0], $0xffff  }
0x26d: {  	v13 =	vor.u32 $0x4, v1;
	[tilespmem:v22+s20+$0x0] =	vst.idx.msk $0xffff, v6  }
0x26e: {  	v14 =	vor.u32 $0x1906, v0;
	v6 =	vld.idx.msk [tilespmem:v23+s10+$0x0], $0xffff  }
0x26f: {  	v15 =	vor.u32 $0x4, v2;
	_ =	sdelay $0x1  }
0x270: {  	[tilespmem:v12+s20+$0x0] =	vst.idx.msk $0xffff, v3  }
0x271: {  	v16 =	vor.u32 $0x1807, v0;
	v3 =	vld.idx.msk [tilespmem:v13+s10+$0x0], $0xffff  }
0x272: {  	v17 =	vor.u32 $0x5, v1;
	[tilespmem:v14+s20+$0x0] =	vst.idx.msk $0xffff, v6  }
0x273: {  	v18 =	vor.u32 $0x1907, v0;
	v6 =	vld.idx.msk [tilespmem:v15+s10+$0x0], $0xffff  }
0x274: {  	v19 =	vor.u32 $0x5, v2;
	_ =	sdelay $0x1  }
0x275: {  	[tilespmem:v16+s20+$0x0] =	vst.idx.msk $0xffff, v3  }
0x276: {  	v20 =	vor.u32 $0x1808, v0;
	v3 =	vld.idx.msk [tilespmem:v17+s10+$0x0], $0xffff  }
0x277: {  	v21 =	vor.u32 $0x6, v1;
	[tilespmem:v18+s20+$0x0] =	vst.idx.msk $0xffff, v6  }
0x278: {  	v22 =	vor.u32 $0x1908, v0;
	v6 =	vld.idx.msk [tilespmem:v19+s10+$0x0], $0xffff  }
0x279: {  	v23 =	vor.u32 $0x6, v2;
	_ =	sdelay $0x1  }
0x27a: {  	v15 =	vld [tilespmem:$0x1CE8];
	[tilespmem:v20+s20+$0x0] =	vst.idx.msk $0xffff, v3  }
0x27b: {  	v12 =	vor.u32 $0x1809, v0;
	v3 =	vld.idx.msk [tilespmem:v21+s10+$0x0], $0xffff  }
0x27c: {  	[tilespmem:v22+s20+$0x0] =	vst.idx.msk $0xffff, v6  }
0x27d: {  	v1 =	vor.u32 $0x7, v1;
	v14 =	vor.u32 $0x1909, v0;
	v13 =	vld.idx.msk [tilespmem:v23+s10+$0x0], $0xffff  }
0x27e: {  	v2 =	vor.u32 $0x7, v2;
	v17 =	vld [tilespmem:$0x1CF8]  }
0x27f: {  	v20 =	vld [tilespmem:$0x1D18]  }
0x280: {  	v4 =	vshll.u32 v15, $0x3;
	[tilespmem:v12+s20+$0x0] =	vst.idx.msk $0xffff, v3;
	v3 =	vld [tilespmem:$0x1CD8]  }
0x281: {  	v19 =	vld [tilespmem:$0x1D08]  }
0x282: {  	v16 =	vor.u32 $0x180A, v0;
	[tilespmem:v14+s20+$0x0] =	vst.idx.msk $0xffff, v13;
	v1 =	vld.idx.msk [tilespmem:v1+s10+$0x0], $0xffff  }
0x283: {  	v18 =	vor.u32 $0x190A, v0;
	v2 =	vld.idx.msk [tilespmem:v2+s10+$0x0], $0xffff  }
0x284: {  	v10 =	vld [tilespmem:$0x1D28];
	v6 =	vshll.u32 v20, $0x3  }
0x285: {  	v12 =	vld.idx.msk [tilespmem:v4+s9+$0x0], $0xffff;
	v13 =	vor.u32 $0x1B00, v0;
	v3 =	vshll.u32 v3, $0x3  }
0x286: {  	v14 =	vor.u32 $0x1, v4  }
0x287: {  	[tilespmem:v16+s20+$0x0] =	vst.idx.msk $0xffff, v1;
	v1 =	vshll.u32 v17, $0x3  }
0x288: {  	[tilespmem:v18+s20+$0x0] =	vst.idx.msk $0xffff, v2;
	v2 =	vshll.u32 v19, $0x3  }
0x289: {  	v21 =	vld.idx.msk [tilespmem:v6+s9+$0x0], $0xffff  }
0x28a: {  	v8 =	vor.u32 $0x1A00, v0;
	v9 =	vshll.u32 v10, $0x3;
	[tilespmem:v13+s20+$0x0] =	vst.idx.msk $0xffff, v12;
	v7 =	vld.idx.msk [tilespmem:v3+s9+$0x0], $0xffff  }
0x28b: {  	v10 =	vor.u32 $0x1, v3;
	v14 =	vld.idx.msk [tilespmem:v14+s9+$0x0], $0xffff  }
0x28c: {  	v16 =	vor.u32 $0x1C00, v0;
	v15 =	vld.idx.msk [tilespmem:v1+s9+$0x0], $0xffff  }
0x28d: {  	v19 =	vor.u32 $0x1D00, v0;
	v17 =	vor.u32 $0x1, v1;
	v18 =	vld.idx.msk [tilespmem:v2+s9+$0x0], $0xffff  }
0x28e: {  	v22 =	vor.u32 $0x1E00, v0;
	v5 =	vld [tilespmem:$0x22B8];
	v20 =	vor.u32 $0x1, v2  }
0x28f: {  	v23 =	vor.u32 $0x1F00, v0;
	[tilespmem:v8+s20+$0x0] =	vst.idx.msk $0xffff, v7;
	v7 =	vor.u32 $0x1, v6;
	v8 =	vld.idx.msk [tilespmem:v9+s9+$0x0], $0xffff  }
0x290: {  	v12 =	vor.u32 $0x1A01, v0;
	v13 =	vor.u32 $0x1, v9;
	v10 =	vld.idx.msk [tilespmem:v10+s9+$0x0], $0xffff  }
0x291: {  	v11 =	vld [tilespmem:$0x22C8];
	v3 =	vor.u32 $0x2, v3;
	[tilespmem:v16+s20+$0x0] =	vst.idx.msk $0xffff, v15;
	v15 =	vor.u32 $0x1B01, v0  }
0x292: {  	v4 =	vor.u32 $0x2, v4;
	[tilespmem:v19+s20+$0x0] =	vst.idx.msk $0xffff, v18;
	v16 =	vld.idx.msk [tilespmem:v17+s9+$0x0], $0xffff;
	v17 =	vor.u32 $0x1C01, v0  }
0x293: {  	[tilespmem:v22+s20+$0x0] =	vst.idx.msk $0xffff, v21;
	v1 =	vor.u32 $0x2, v1;
	v19 =	vor.u32 $0x1D01, v0;
	v18 =	vld.idx.msk [tilespmem:v20+s9+$0x0], $0xffff  }
0x294: {  	v2 =	vor.u32 $0x2, v2;
	v20 =	vor.u32 $0x1E01, v0;
	v7 =	vld.idx.msk [tilespmem:v7+s9+$0x0], $0xffff;
	[tilespmem:v23+s20+$0x0] =	vst.idx.msk $0xffff, v8  }
0x295: {  	v6 =	vor.u32 $0x2, v6;
	[tilespmem:v12+s20+$0x0] =	vst.idx.msk $0xffff, v10;
	v8 =	vld.idx.msk [tilespmem:v13+s9+$0x0], $0xffff;
	v10 =	vor.u32 $0x1F01, v0  }
0x296: {  	v9 =	vor.u32 $0x2, v9;
	v12 =	vor.u32 $0x1A02, v0;
	[tilespmem:v15+s20+$0x0] =	vst.idx.msk $0xffff, v14;
	v3 =	vld.idx.msk [tilespmem:v3+s9+$0x0], $0xffff  }
0x297: {  	v21 =	vor.u32 $0x1B02, v0;
	v4 =	vld.idx.msk [tilespmem:v4+s9+$0x0], $0xffff;
	[tilespmem:v17+s20+$0x0] =	vst.idx.msk $0xffff, v16  }
0x298: {  	v22 =	vor.u32 $0x1C02, v0;
	[tilespmem:v19+s20+$0x0] =	vst.idx.msk $0xffff, v18;
	v1 =	vld.idx.msk [tilespmem:v1+s9+$0x0], $0xffff  }
0x299: {  	v23 =	vor.u32 $0x1D02, v0;
	v2 =	vld.idx.msk [tilespmem:v2+s9+$0x0], $0xffff;
	[tilespmem:v20+s20+$0x0] =	vst.idx.msk $0xffff, v7  }
0x29a: {  	v16 =	vor.u32 $0x1E02, v0;
	v6 =	vld.idx.msk [tilespmem:v6+s9+$0x0], $0xffff;
	[tilespmem:v10+s20+$0x0] =	vst.idx.msk $0xffff, v8  }
0x29b: {  	v17 =	vor.u32 $0x1F02, v0;
	[tilespmem:v12+s20+$0x0] =	vst.idx.msk $0xffff, v3;
	v3 =	vld.idx.msk [tilespmem:v9+s9+$0x0], $0xffff  }
0x29c: {  	[tilespmem:v21+s20+$0x0] =	vst.idx.msk $0xffff, v4;
	v18 =	vld [tilespmem:$0x1ED8]  }
0x29d: {  	v4 =	vld [tilespmem:$0x1EE8];
	[tilespmem:v22+s20+$0x0] =	vst.idx.msk $0xffff, v1  }
0x29e: {  	[tilespmem:v23+s20+$0x0] =	vst.idx.msk $0xffff, v2;
	v1 =	vld [tilespmem:$0x1EF8]  }
0x29f: {  	v2 =	vor.u32 $0x180B, v0;
	v19 =	vld [tilespmem:$0x1F08];
	[tilespmem:v16+s20+$0x0] =	vst.idx.msk $0xffff, v6  }
0x2a0: {  	v20 =	vor.u32 $0x190B, v0;
	v21 =	vld [tilespmem:$0x1F18];
	[tilespmem:v17+s20+$0x0] =	vst.idx.msk $0xffff, v3  }
0x2a1: {  	v8 =	vmul.u32 $0x18, v18;
	v3 =	vld [tilespmem:$0x1F28]  }
0x2a2: {  	v7 =	vmul.u32 $0x18, v4  }
0x2a3: {  	v6 =	vmul.u32 $0x18, v1  }
0x2a4: {  	[tilespmem:v2+s20+$0x0] =	vst.idx.msk $0xffff, v5;
	v5 =	vmul.u32 $0x18, v19  }
0x2a5: {  	[tilespmem:v20+s20+$0x0] =	vst.idx.msk $0xffff, v11;
	v2 =	vld [tilespmem:$0x20B8];
	v4 =	vmul.u32 $0x18, v21  }
0x2a6: {  	v1 =	vld [tilespmem:$0x20C8];
	v3 =	vmul.u32 $0x18, v3  }
0x2a7: {  	v10 =	vor.u32 $0x1A03, v0;
	v9 =	vld.idx.msk [tilespmem:v8+s10+$0x0], $0xffff  }
0x2a8: {  	v13 =	vor.u32 $0x1B03, v0;
	v11 =	vor.u32 $0x1, v8;
	v12 =	vld.idx.msk [tilespmem:v7+s10+$0x0], $0xffff  }
0x2a9: {  	v16 =	vor.u32 $0x1C03, v0;
	v14 =	vor.u32 $0x1, v7;
	v15 =	vld.idx.msk [tilespmem:v6+s10+$0x0], $0xffff  }
0x2aa: {  	v19 =	vor.u32 $0x1D03, v0;
	v17 =	vor.u32 $0x1, v6;
	v18 =	vld.idx.msk [tilespmem:v5+s10+$0x0], $0xffff  }
0x2ab: {  	v22 =	vor.u32 $0x1E03, v0;
	v20 =	vor.u32 $0x1, v5;
	v21 =	vld.idx.msk [tilespmem:v4+s10+$0x0], $0xffff  }
0x2ac: {  	v23 =	vor.u32 $0x1F03, v0;
	[tilespmem:v10+s20+$0x0] =	vst.idx.msk $0xffff, v9;
	v9 =	vor.u32 $0x1, v4;
	v10 =	vld.idx.msk [tilespmem:v3+s10+$0x0], $0xffff  }
0x2ad: {  	[tilespmem:v13+s20+$0x0] =	vst.idx.msk $0xffff, v12;
	v12 =	vor.u32 $0x1A04, v0;
	v13 =	vor.u32 $0x1, v3;
	v11 =	vld.idx.msk [tilespmem:v11+s10+$0x0], $0xffff  }
0x2ae: {  	[tilespmem:v16+s20+$0x0] =	vst.idx.msk $0xffff, v15;
	v15 =	vor.u32 $0x2, v8;
	v14 =	vld.idx.msk [tilespmem:v14+s10+$0x0], $0xffff;
	v16 =	vor.u32 $0x1B04, v0  }
0x2af: {  	[tilespmem:v19+s20+$0x0] =	vst.idx.msk $0xffff, v18;
	v18 =	vor.u32 $0x2, v7;
	v19 =	vor.u32 $0x1C04, v0;
	v17 =	vld.idx.msk [tilespmem:v17+s10+$0x0], $0xffff  }
0x2b0: {  	v20 =	vld.idx.msk [tilespmem:v20+s10+$0x0], $0xffff;
	[tilespmem:v22+s20+$0x0] =	vst.idx.msk $0xffff, v21;
	v21 =	vor.u32 $0x2, v6;
	v22 =	vor.u32 $0x1D04, v0  }
0x2b1: {  	[tilespmem:v23+s20+$0x0] =	vst.idx.msk $0xffff, v10;
	v10 =	vor.u32 $0x2, v5;
	v9 =	vld.idx.msk [tilespmem:v9+s10+$0x0], $0xffff;
	v23 =	vor.u32 $0x1E04, v0  }
0x2b2: {  	[tilespmem:v12+s20+$0x0] =	vst.idx.msk $0xffff, v11;
	v11 =	vor.u32 $0x2, v4;
	v12 =	vld.idx.msk [tilespmem:v13+s10+$0x0], $0xffff;
	v13 =	vor.u32 $0x1F04, v0  }
0x2b3: {  	[tilespmem:v16+s20+$0x0] =	vst.idx.msk $0xffff, v14;
	v14 =	vor.u32 $0x1A05, v0;
	v16 =	vor.u32 $0x2, v3;
	v15 =	vld.idx.msk [tilespmem:v15+s10+$0x0], $0xffff  }
0x2b4: {  	[tilespmem:v19+s20+$0x0] =	vst.idx.msk $0xffff, v17;
	v17 =	vor.u32 $0x3, v8;
	v18 =	vld.idx.msk [tilespmem:v18+s10+$0x0], $0xffff;
	v19 =	vor.u32 $0x1B05, v0  }
0x2b5: {  	[tilespmem:v22+s20+$0x0] =	vst.idx.msk $0xffff, v20;
	v20 =	vor.u32 $0x3, v7;
	v21 =	vld.idx.msk [tilespmem:v21+s10+$0x0], $0xffff;
	v22 =	vor.u32 $0x1C05, v0  }
0x2b6: {  	[tilespmem:v23+s20+$0x0] =	vst.idx.msk $0xffff, v9;
	v9 =	vor.u32 $0x3, v6;
	v10 =	vld.idx.msk [tilespmem:v10+s10+$0x0], $0xffff;
	v23 =	vor.u32 $0x1D05, v0  }
0x2b7: {  	[tilespmem:v13+s20+$0x0] =	vst.idx.msk $0xffff, v12;
	v12 =	vor.u32 $0x3, v5;
	v11 =	vld.idx.msk [tilespmem:v11+s10+$0x0], $0xffff;
	v13 =	vor.u32 $0x1E05, v0  }
0x2b8: {  	[tilespmem:v14+s20+$0x0] =	vst.idx.msk $0xffff, v15;
	v14 =	vor.u32 $0x3, v4;
	v15 =	vld.idx.msk [tilespmem:v16+s10+$0x0], $0xffff;
	v16 =	vor.u32 $0x1F05, v0  }
0x2b9: {  	[tilespmem:v19+s20+$0x0] =	vst.idx.msk $0xffff, v18;
	v18 =	vor.u32 $0x1A06, v0;
	v19 =	vor.u32 $0x3, v3;
	v17 =	vld.idx.msk [tilespmem:v17+s10+$0x0], $0xffff  }
0x2ba: {  	[tilespmem:v22+s20+$0x0] =	vst.idx.msk $0xffff, v21;
	v21 =	vor.u32 $0x4, v8;
	v20 =	vld.idx.msk [tilespmem:v20+s10+$0x0], $0xffff;
	v22 =	vor.u32 $0x1B06, v0  }
0x2bb: {  	[tilespmem:v23+s20+$0x0] =	vst.idx.msk $0xffff, v10;
	v10 =	vor.u32 $0x4, v7;
	v9 =	vld.idx.msk [tilespmem:v9+s10+$0x0], $0xffff;
	v23 =	vor.u32 $0x1C06, v0  }
0x2bc: {  	[tilespmem:v13+s20+$0x0] =	vst.idx.msk $0xffff, v11;
	v11 =	vor.u32 $0x4, v6;
	v12 =	vld.idx.msk [tilespmem:v12+s10+$0x0], $0xffff;
	v13 =	vor.u32 $0x1D06, v0  }
0x2bd: {  	[tilespmem:v16+s20+$0x0] =	vst.idx.msk $0xffff, v15;
	v15 =	vor.u32 $0x4, v5;
	v14 =	vld.idx.msk [tilespmem:v14+s10+$0x0], $0xffff;
	v16 =	vor.u32 $0x1E06, v0  }
0x2be: {  	[tilespmem:v18+s20+$0x0] =	vst.idx.msk $0xffff, v17;
	v17 =	vor.u32 $0x4, v4;
	v18 =	vld.idx.msk [tilespmem:v19+s10+$0x0], $0xffff;
	v19 =	vor.u32 $0x1F06, v0  }
0x2bf: {  	v21 =	vld.idx.msk [tilespmem:v21+s10+$0x0], $0xffff;
	[tilespmem:v22+s20+$0x0] =	vst.idx.msk $0xffff, v20;
	v20 =	vor.u32 $0x1A07, v0;
	v22 =	vor.u32 $0x4, v3  }
0x2c0: {  	[tilespmem:v23+s20+$0x0] =	vst.idx.msk $0xffff, v9;
	v9 =	vor.u32 $0x5, v8;
	v10 =	vld.idx.msk [tilespmem:v10+s10+$0x0], $0xffff;
	v23 =	vor.u32 $0x1B07, v0  }
0x2c1: {  	[tilespmem:v13+s20+$0x0] =	vst.idx.msk $0xffff, v12;
	v12 =	vor.u32 $0x5, v7;
	v11 =	vld.idx.msk [tilespmem:v11+s10+$0x0], $0xffff;
	v13 =	vor.u32 $0x1C07, v0  }
0x2c2: {  	[tilespmem:v16+s20+$0x0] =	vst.idx.msk $0xffff, v14;
	v14 =	vor.u32 $0x5, v6;
	v15 =	vld.idx.msk [tilespmem:v15+s10+$0x0], $0xffff;
	v16 =	vor.u32 $0x1D07, v0  }
0x2c3: {  	[tilespmem:v19+s20+$0x0] =	vst.idx.msk $0xffff, v18;
	v18 =	vor.u32 $0x5, v5;
	v17 =	vld.idx.msk [tilespmem:v17+s10+$0x0], $0xffff;
	v19 =	vor.u32 $0x1E07, v0  }
0x2c4: {  	[tilespmem:v20+s20+$0x0] =	vst.idx.msk $0xffff, v21;
	v20 =	vor.u32 $0x5, v4;
	v21 =	vld.idx.msk [tilespmem:v22+s10+$0x0], $0xffff;
	v22 =	vor.u32 $0x1F07, v0  }
0x2c5: {  	v9 =	vld.idx.msk [tilespmem:v9+s10+$0x0], $0xffff;
	[tilespmem:v23+s20+$0x0] =	vst.idx.msk $0xffff, v10;
	v10 =	vor.u32 $0x1A08, v0;
	v23 =	vor.u32 $0x5, v3  }
0x2c6: {  	[tilespmem:v13+s20+$0x0] =	vst.idx.msk $0xffff, v11;
	v11 =	vor.u32 $0x6, v8;
	v12 =	vld.idx.msk [tilespmem:v12+s10+$0x0], $0xffff;
	v13 =	vor.u32 $0x1B08, v0  }
0x2c7: {  	[tilespmem:v16+s20+$0x0] =	vst.idx.msk $0xffff, v15;
	v15 =	vor.u32 $0x6, v7;
	v14 =	vld.idx.msk [tilespmem:v14+s10+$0x0], $0xffff;
	v16 =	vor.u32 $0x1C08, v0  }
0x2c8: {  	[tilespmem:v19+s20+$0x0] =	vst.idx.msk $0xffff, v17;
	v17 =	vor.u32 $0x6, v6;
	v18 =	vld.idx.msk [tilespmem:v18+s10+$0x0], $0xffff;
	v19 =	vor.u32 $0x1D08, v0  }
0x2c9: {  	[tilespmem:v22+s20+$0x0] =	vst.idx.msk $0xffff, v21;
	v21 =	vor.u32 $0x6, v5;
	v20 =	vld.idx.msk [tilespmem:v20+s10+$0x0], $0xffff;
	v22 =	vor.u32 $0x1E08, v0  }
0x2ca: {  	[tilespmem:v10+s20+$0x0] =	vst.idx.msk $0xffff, v9;
	v9 =	vor.u32 $0x6, v4;
	v10 =	vld.idx.msk [tilespmem:v23+s10+$0x0], $0xffff;
	v23 =	vor.u32 $0x1F08, v0  }
0x2cb: {  	v11 =	vld.idx.msk [tilespmem:v11+s10+$0x0], $0xffff;
	[tilespmem:v13+s20+$0x0] =	vst.idx.msk $0xffff, v12;
	v12 =	vor.u32 $0x1A09, v0;
	v13 =	vor.u32 $0x6, v3  }
0x2cc: {  	v8 =	vor.u32 $0x7, v8;
	[tilespmem:v16+s20+$0x0] =	vst.idx.msk $0xffff, v14;
	v14 =	vld.idx.msk [tilespmem:v15+s10+$0x0], $0xffff;
	v15 =	vor.u32 $0x1B09, v0  }
0x2cd: {  	v7 =	vor.u32 $0x7, v7;
	[tilespmem:v19+s20+$0x0] =	vst.idx.msk $0xffff, v18;
	v16 =	vld.idx.msk [tilespmem:v17+s10+$0x0], $0xffff;
	v17 =	vor.u32 $0x1C09, v0  }
0x2ce: {  	v6 =	vor.u32 $0x7, v6;
	[tilespmem:v22+s20+$0x0] =	vst.idx.msk $0xffff, v20;
	v18 =	vld.idx.msk [tilespmem:v21+s10+$0x0], $0xffff;
	v22 =	vor.u32 $0x1D09, v0  }
0x2cf: {  	v5 =	vor.u32 $0x7, v5;
	[tilespmem:v23+s20+$0x0] =	vst.idx.msk $0xffff, v10;
	v9 =	vld.idx.msk [tilespmem:v9+s10+$0x0], $0xffff;
	v23 =	vor.u32 $0x1E09, v0  }
0x2d0: {  	v4 =	vor.u32 $0x7, v4;
	[tilespmem:v12+s20+$0x0] =	vst.idx.msk $0xffff, v11;
	v11 =	vld.idx.msk [tilespmem:v13+s10+$0x0], $0xffff;
	v12 =	vor.u32 $0x1F09, v0  }
0x2d1: {  	v3 =	vor.u32 $0x7, v3;
	v20 =	vor.u32 $0x1A0A, v0;
	[tilespmem:v15+s20+$0x0] =	vst.idx.msk $0xffff, v14;
	v8 =	vld.idx.msk [tilespmem:v8+s10+$0x0], $0xffff  }
0x2d2: {  	v21 =	vor.u32 $0x1B0A, v0;
	[tilespmem:v17+s20+$0x0] =	vst.idx.msk $0xffff, v16;
	v7 =	vld.idx.msk [tilespmem:v7+s10+$0x0], $0xffff  }
0x2d3: {  	[tilespmem:v22+s20+$0x0] =	vst.idx.msk $0xffff, v18;
	v6 =	vld.idx.msk [tilespmem:v6+s10+$0x0], $0xffff;
	v22 =	vor.u32 $0x1C0A, v0  }
0x2d4: {  	[tilespmem:v23+s20+$0x0] =	vst.idx.msk $0xffff, v9;
	v5 =	vld.idx.msk [tilespmem:v5+s10+$0x0], $0xffff;
	v23 =	vor.u32 $0x1D0A, v0  }
0x2d5: {  	v16 =	vor.u32 $0x1E0A, v0;
	[tilespmem:v12+s20+$0x0] =	vst.idx.msk $0xffff, v11;
	v4 =	vld.idx.msk [tilespmem:v4+s10+$0x0], $0xffff  }
0x2d6: {  	v17 =	vor.u32 $0x1F0A, v0;
	[tilespmem:v20+s20+$0x0] =	vst.idx.msk $0xffff, v8;
	v3 =	vld.idx.msk [tilespmem:v3+s10+$0x0], $0xffff  }
0x2d7: {  	v19 =	vor.u32 $0x1A0B, v0;
	[tilespmem:v21+s20+$0x0] =	vst.idx.msk $0xffff, v7;
	v18 =	vld [tilespmem:$0x22D8]  }
0x2d8: {  	v21 =	vor.u32 $0x1B0B, v0;
	[tilespmem:v22+s20+$0x0] =	vst.idx.msk $0xffff, v6;
	v20 =	vld [tilespmem:$0x22E8]  }
0x2d9: {  	v22 =	vor.u32 $0x1C0B, v0;
	[tilespmem:v23+s20+$0x0] =	vst.idx.msk $0xffff, v5;
	v5 =	vld [tilespmem:$0x22F8]  }
0x2da: {  	[tilespmem:v16+s20+$0x0] =	vst.idx.msk $0xffff, v4;
	v23 =	vld [tilespmem:$0x2308];
	v16 =	vor.u32 $0x1D0B, v0  }
0x2db: {  	[tilespmem:v17+s20+$0x0] =	vst.idx.msk $0xffff, v3;
	v3 =	vld [tilespmem:$0x2318];
	v17 =	vor.u32 $0x1E0B, v0  }
0x2dc: {  	[tilespmem:v19+s20+$0x0] =	vst.idx.msk $0xffff, v18;
	v18 =	vld [tilespmem:$0x2328];
	v19 =	vor.u32 $0x1F0B, v0  }
0x2dd: {  	[tilespmem:v21+s20+$0x0] =	vst.idx.msk $0xffff, v20;
	v20 =	vor.u32 $0x180C, v0;
	v21 =	vld [tilespmem:$0x20D8]  }
0x2de: {  	[tilespmem:v22+s20+$0x0] =	vst.idx.msk $0xffff, v5;
	v5 =	vor.u32 $0x190C, v0;
	v22 =	vld [tilespmem:$0x20E8]  }
0x2df: {  	[tilespmem:v16+s20+$0x0] =	vst.idx.msk $0xffff, v23;
	v23 =	vor.u32 $0x1A0C, v0;
	v16 =	vld [tilespmem:$0x20F8]  }
0x2e0: {  	v2 =	vcvt.s32.f32 v2;
	[tilespmem:v17+s20+$0x0] =	vst.idx.msk $0xffff, v3;
	v3 =	vor.u32 $0x1B0C, v0;
	v17 =	vld [tilespmem:$0x2108]  }
0x2e1: {  	v1 =	vcvt.s32.f32 v1;
	[tilespmem:v19+s20+$0x0] =	vst.idx.msk $0xffff, v18;
	v18 =	vor.u32 $0x1C0C, v0;
	v19 =	vld [tilespmem:$0x2118]  }
0x2e2: {  	[tilespmem:v20+s20+$0x0] =	vst.idx.msk $0xffff, v2;
	v2 =	vcvt.s32.f32 v21;
	v20 =	vor.u32 $0x1D0C, v0;
	v21 =	vld [tilespmem:$0x2128]  }
0x2e3: {  	[tilespmem:v5+s20+$0x0] =	vst.idx.msk $0xffff, v1;
	v1 =	vcvt.s32.f32 v22;
	v22 =	vor.u32 $0x1E0C, v0  }
0x2e4: {  	[tilespmem:v23+s20+$0x0] =	vst.idx.msk $0xffff, v2;
	v2 =	vcvt.s32.f32 v16;
	v23 =	vor.u32 $0x1F0C, v0  }
0x2e5: {  	[tilespmem:v3+s20+$0x0] =	vst.idx.msk $0xffff, v1;
	v1 =	vcvt.s32.f32 v17  }
0x2e6: {  	[tilespmem:v18+s20+$0x0] =	vst.idx.msk $0xffff, v2;
	v2 =	vcvt.s32.f32 v19  }
0x2e7: {  	[tilespmem:v20+s20+$0x0] =	vst.idx.msk $0xffff, v1;
	v1 =	vcvt.s32.f32 v21  }
0x2e8: {  	[tilespmem:v22+s20+$0x0] =	vst.idx.msk $0xffff, v2  }
0x2e9: {  	s6 =	rddreg [dreg:$0x12];
	[tilespmem:v23+s20+$0x0] =	vst.idx.msk $0xffff, v1  }
0x2ea: {  	[hbm4b:s6+s21] =	stream.strided.scatter [tilespmem:s25], [sflag:$0x7], $0x800, s22, s21, $0x38;
	[tilespmem:$0x4338] =	vst v63  }
0x2eb: {  	_ =	swait.ge [sflag:s26], $0x400  }
0x2ec: {  	[sflag:s26] =	ssyncset.done $0x0  }
0x2ed: {  	[sflag:s26] =	ssyncadd.s32 $0xFFFFFC00  }
0x2ee: {  	[hbm4b:s3+s28] =	stream.strided.scatter [tilespmem:s13], [sflag:$0x7], $0x400, s22, s28, $0x38;
	[tilespmem:$0x4338] =	vst v63  }
0x2ef: {  	_ =	swait.ge [sflag:s29], $0x400  }
0x2f0: {  	[sflag:s29] =	ssyncset.done $0x0  }
0x2f1: {  	s7 =	rddreg [dreg:$0x13];
	[sflag:s29] =	ssyncadd.s32 $0xFFFFFC00  }
0x2f2: {  	[hbm4b:s7+s28] =	stream.strided.scatter [tilespmem:s14], [sflag:$0x7], $0x400, s22, s28, $0x38;
	[tilespmem:$0x4338] =	vst v63  }
0x2f3: {  	_ =	swait.ge [sflag:s30], $0x400  }
0x2f4: {  	[sflag:s30] =	ssyncset.done $0x0  }
0x2f5: {  	s6 =	rddreg [dreg:$0x14];
	[sflag:s30] =	ssyncadd.s32 $0xFFFFFC00  }
0x2f6: {  	[hbm4b:s6+s28] =	stream.strided.scatter [tilespmem:s16], [sflag:$0x7], $0x400, s22, s28, $0x38;
	[tilespmem:$0x4338] =	vst v63  }
0x2f7: {  	_ =	swait.ge [sflag:s31], $0x400  }
0x2f8: {  	[sflag:s31] =	ssyncset.done $0x0  }
0x2f9: {  	s7 =	rddreg [dreg:$0x15];
	[sflag:s31] =	ssyncadd.s32 $0xFFFFFC00  }
0x2fa: {  	[hbm4b:s7+s28] =	stream.strided.scatter [tilespmem:s18], [sflag:$0x7], $0x400, s22, s28, $0x38;
	[tilespmem:$0x4338] =	vst v63  }
0x2fb: {  	_ =	swait.ge [sflag:s0], $0x800  }
0x2fc: {  	[sflag:s0] =	ssyncset.done $0x0  }
0x2fd: {  	[sflag:s0] =	ssyncadd.s32 $0xFFFFF800  }
0x2fe: {  	_ =	swait.ge [sflag:s0], $0x800  }
0x2ff: {  	[sflag:s0] =	ssyncset.done $0x0  }
0x300: {  	[sflag:s0] =	ssyncadd.s32 $0xFFFFF800  }
0x301: {  	_ =	swait.ge [sflag:s0], $0x800  }
0x302: {  	[sflag:s0] =	ssyncset.done $0x0  }
0x303: {  	[sflag:s0] =	ssyncadd.s32 $0xFFFFF800  }
0x304: {  	_ =	swait.ge [sflag:s0], $0x800  }
0x305: {  	[sflag:s0] =	ssyncset.done $0x0  }
0x306: {  	[sflag:s0] =	ssyncadd.s32 $0xFFFFF800  }
0x307: {  	_ =	swait.ge [sflag:s0], $0x400  }
0x308: {  	[sflag:s0] =	ssyncset.done $0x0  }
0x309: {  	[sflag:s0] =	ssyncadd.s32 $0xFFFFFC00  }
0x30a: {  	_ =	swait.ge [sflag:s0], $0x400  }
0x30b: {  	[sflag:s0] =	ssyncset.done $0x0  }
0x30c: {  	[sflag:s0] =	ssyncadd.s32 $0xFFFFFC00  }
0x30d: {  	p0 =	sne.s32 s5, $0x1;
	_ =	swait.ge [sflag:s0], $0x400  }
.Ltmp0:
0x30e: {  	[sflag:s0] =	ssyncset.done $0x0;
	(pc) =	sbr.rel @p0 .LBB2_1-.Ltmp0, $4  }
0x30f: {  	[sflag:s0] =	ssyncadd.s32 $0xFFFFFC00  }
0x310: {  	_ =	swait.ge [sflag:s0], $0x400  }
0x311: {  	[sflag:s0] =	ssyncset.done $0x0  }
0x312: {  	s5 =	sadd.s32 $0xFFFFFFFF, s5;
	[sflag:s0] =	ssyncadd.s32 $0xFFFFFC00  }
0x313: {  	_ =	sfence.sel $0x180000  }
0x314: {  	[bflag:$0x0] =	sbarrier.arrive $0xFFFF  }
0x315: {  	_ =	strace $0x90000047  }
0x316: {  	s0 =	stileid.u32;
	[bflag:$0x2] =	sbarrier.arrive $0xFFFF  }
0x317: {  	p0 =	sne.s32 s0, $0x0;
	s0 =	rddreg [dreg:$0x7]  }
0x318: {  	s0 =	sadd.s32 @!p0 $0x100000, s0  }
0x319: {  	[sflag:s0] =	ssyncadd.tile.s32 @!p0 $0x1;
	_ =	shalt  }
.Lfunc_end2:
_tile_overlayer_lowered:
.L_overlay_start_2:
0x31a: {  	(tag) =	ssettag $0x2  }
0x31b: {  	s0 =	rddreg [dreg:$0x0];
	s2 =	stileid.u32  }
0x31c: {  	s1 =	rddreg [dreg:$0x1];
	p0 =	sne.s32 s2, $0x0  }
0x31d: {  	s3 =	rddreg [dreg:$0x2];
	[bflag:$0x3] =	sbarrier.arrive $0xFFFF;
	s2 =	simm.s32 @!p0 $0x1C08  }
0x31e: {  	[timem:s3], [sflag:s2] =	dma.local @!p0 [hbm:s0], s1  }
0x31f: {  	s0 =	simm.s32 @!p0 $0x8  }
0x320: {  	_ =	swait.ge @!p0 [sflag:s0], s1  }
0x321: {  	s1 =	ssub.s32 @!p0 $0x0, s1;
	[sflag:s0] =	ssyncset.done @!p0 $0x0  }
0x322: {  	[sflag:s0] =	ssyncadd.s32 @!p0 s1  }
0x323: {  	[bflag:$0x3] =	sbarrier.arrive $0xFFFF  }
0x324: {  	_ =	shalt  }

</sc_bundles>
